<compile_context>
chip_gen: v7x
topology: tpu7x:2x2x1
jax: 0.10.2.dev20260603
libtpu: 0.0.44.dev20260713+nightly
codegen_flags: <defaults>
</compile_context>

<pallas_src>
import functools

import jax
import jax.numpy as jnp
from jax import lax
from jax.experimental import pallas as pl
from jax.experimental.pallas import tpu as pltpu
from jax.experimental.pallas import tpu_sc as plsc

_L = 128
_RC = 2


@functools.lru_cache(maxsize=None)
def _make_kernel(n_idx, dd):
    info = plsc.get_sparse_core_info()
    nc, ns = info.num_cores, info.num_subcores
    nw = nc * ns
    rows_per_w = (n_idx // _L) // nw
    n_chunks = rows_per_w // _RC
    cpw = _RC * _L
    mesh = plsc.VectorSubcoreMesh(core_axis_name="c", subcore_axis_name="s")

    @functools.partial(
        pl.kernel,
        mesh=mesh,
        out_type=jax.ShapeDtypeStruct((n_idx, dd), jnp.float32),
        scratch_types=[
            pltpu.VMEM((rows_per_w, _L), jnp.int32),
            pltpu.VMEM((2, cpw, dd), jnp.float32),
            pltpu.SemaphoreType.DMA,
            pltpu.SemaphoreType.DMA,
            pltpu.SemaphoreType.DMA,
            pltpu.SemaphoreType.DMA,
        ],
    )
    def k(idx_hbm, tab, out, idx_v, st, gsa, gsb, wsa, wsb):
        wid = lax.axis_index("s") * nc + lax.axis_index("c")
        row0 = wid * rows_per_w
        pltpu.sync_copy(idx_hbm.at[pl.ds(row0, rows_per_w)], idx_v)

        def g_parts(t, b, sem):
            return [
                (tab.at[idx_v.at[t * _RC + j]],
                 st.at[b, pl.ds(j * _L, _L)], sem)
                for j in range(_RC)
            ]

        def w_parts(t, b, sem):
            ob = (row0 + t * _RC) * _L
            return [(st.at[b], out.at[pl.ds(ob, cpw)], sem)]

        def issue(parts):
            for src, dst, sem in parts:
                pltpu.async_copy(src, dst, sem)

        def drain(parts):
            for src, dst, sem in parts:
                pltpu.make_async_copy(src, dst, sem).wait()

        last = n_chunks - 1
        issue(g_parts(0, 0, gsa))

        def body(u, carry):
            t0 = 2 * u
            t1 = 2 * u + 1
            drain(g_parts(t0, 0, gsa))
            issue(w_parts(t0, 0, wsa))
            issue(g_parts(t1, 1, gsb))
            drain(g_parts(t1, 1, gsb))
            issue(w_parts(t1, 1, wsb))
            drain(w_parts(t0, 0, wsa))
            t2 = jnp.minimum(t0 + 2, last)
            issue(g_parts(t2, 0, gsa))
            drain(w_parts(t1, 1, wsb))
            return carry

        lax.fori_loop(0, n_chunks // 2, body, 0)
        drain(g_parts(last, 0, gsa))

    return k


def kernel(x, real_embedding, imag_embedding):
    b, h = x.shape
    d = real_embedding.shape[1]
    n = b * h
    idx = x.reshape(n // _L, _L).astype(jnp.int32)
    tab = jnp.concatenate([real_embedding, imag_embedding], axis=1)
    big = _make_kernel(n, 2 * d)(idx, tab)
    return (big[:, :d].reshape(b, h, d), big[:, d:].reshape(b, h, d))

# --- scband reference (transcript-rebuilt; emitter-appended) ---
"""Pipeline reference for scband-complex-embedding-69509750719107 (READ-ONLY COPY).

The authoritative reference and input builder live on the scoring server;
editing this copy changes nothing except your own understanding.
"""

import jax, jax.numpy as jnp
import numpy as np

VOCAB = 1000000
FEATURES = 64
BATCH = 4096
HIST = 200

def setup_inputs(seed: int = 0) -> dict:
    key = jax.random.key(seed)
    k1, k2, k3 = jax.random.split(key, 3)
    x = jax.random.randint(k1, (BATCH, HIST), 0, VOCAB)
    # flax nn.Embed default init: variance scaling / normal(stddev=1/sqrt(features)) approx; use scaled normal
    real_embedding = jax.random.normal(k2, (VOCAB, FEATURES), dtype=jnp.float32) * (1.0 / np.sqrt(FEATURES))
    imag_embedding = jax.random.normal(k3, (VOCAB, FEATURES), dtype=jnp.float32) * (1.0 / np.sqrt(FEATURES))
    return {"x": x, "real_embedding": real_embedding, "imag_embedding": imag_embedding}

def reference(x, real_embedding, imag_embedding):
    # ComplexEmbedding.__call__: two independent embedding lookups on the same indices
    real_embed = jnp.take(real_embedding, x, axis=0)
    imag_embed = jnp.take(imag_embedding, x, axis=0)
    return (real_embed, imag_embed)

if __name__ == "__main__":
    import jax
    _d = setup_inputs()
    print(jax.jit(kernel)(*tuple(_d.values())))

</pallas_src>

<mosaic_0001>
#map = affine_map<(d0, d1) -> (0, 0)>
module attributes {stable_mosaic.version = 14 : i64} {
  func.func @k(%arg0: i32, %arg1: i32, %arg2: memref<6400x128xi32, #tpu.memory_space<hbm>>, %arg3: memref<1000000x128xf32, #tpu.memory_space<hbm>>, %arg4: memref<819200x128xf32, #tpu.memory_space<hbm>>, %arg5: memref<200x128xi32, #tpu.memory_space<vmem>>, %arg6: memref<2x256x128xf32, #tpu.memory_space<vmem>>, %arg7: memref<!tpu.dma_semaphore, #tpu.memory_space<semaphore_mem>>, %arg8: memref<!tpu.dma_semaphore, #tpu.memory_space<semaphore_mem>>, %arg9: memref<!tpu.dma_semaphore, #tpu.memory_space<semaphore_mem>>, %arg10: memref<!tpu.dma_semaphore, #tpu.memory_space<semaphore_mem>>) attributes {dimension_semantics = [#tpu.dimension_semantics<core_parallel>, #tpu.dimension_semantics<subcore_parallel>], iteration_bounds = array<i64: 2, 16>, scalar_prefetch = 0 : i64, scratch_operands = 6 : i64, tpu.core_type = #tpu.core_type<sc_vector_subcore>, window_params = [{transform_indices = #map}, {transform_indices = #map}, {transform_indices = #map}]} {
    %mul3A = arith.constant 2 : i32
    %mul3A_0 = arith.muli %arg1, %mul3A : i32
    %add3A = arith.addi %mul3A_0, %arg0 : i32
    %mul3A_1 = arith.constant 200 : i32
    %mul3A_2 = arith.muli %add3A, %mul3A_1 : i32
    "tpu.region"() ({
      %run_scoped3A = tpu.sem_alloc : memref<!tpu.dma_semaphore, #tpu.memory_space<semaphore_mem>>
      %dma_start3A_54 = arith.constant 0 : i32
      %dma_start3A_55 = tpu.memref_slice %arg2[%mul3A_2, %dma_start3A_54] : memref<6400x128xi32, #tpu.memory_space<hbm>> -> memref<200x128xi32, #tpu.memory_space<hbm>>
      %dma_start3A_56 = arith.constant 0 : i32
      %dma_start3A_57 = tpu.memref_slice %arg2[%mul3A_2, %dma_start3A_56] : memref<6400x128xi32, #tpu.memory_space<hbm>> -> memref<200x128xi32, #tpu.memory_space<hbm>>
      tpu.enqueue_dma source(%dma_start3A_57 : memref<200x128xi32, #tpu.memory_space<hbm>>) target(%arg5 : memref<200x128xi32, #tpu.memory_space<vmem>>) target_semaphore(%run_scoped3A : memref<!tpu.dma_semaphore, #tpu.memory_space<semaphore_mem>>)
      %dma_wait3A_58 = arith.constant 0 : i32
      %dma_wait3A_59 = tpu.memref_slice %arg2[%mul3A_2, %dma_wait3A_58] : memref<6400x128xi32, #tpu.memory_space<hbm>> -> memref<200x128xi32, #tpu.memory_space<hbm>>
      %dma_wait3A_60 = arith.constant 0 : i32
      %dma_wait3A_61 = tpu.memref_slice %arg2[%mul3A_2, %dma_wait3A_60] : memref<6400x128xi32, #tpu.memory_space<hbm>> -> memref<200x128xi32, #tpu.memory_space<hbm>>
      tpu.wait_dma2 semaphore(%run_scoped3A : memref<!tpu.dma_semaphore, #tpu.memory_space<semaphore_mem>>) src(%dma_wait3A_61 : memref<200x128xi32, #tpu.memory_space<hbm>>) dst(%arg5 : memref<200x128xi32, #tpu.memory_space<vmem>>)
      tpu.yield
    }) : () -> ()
    %dma_start3A = arith.constant 0 : i32
    %dma_start3A_3 = arith.constant 0 : i32
    %dma_start3A_4 = arith.constant 0 : i32
    %dma_start3A_5 = arith.constant 0 : i32
    %dma_start3A_6 = tpu.memref_slice %arg6[%dma_start3A_3, %dma_start3A_4, %dma_start3A_5] : memref<2x256x128xf32, #tpu.memory_space<vmem>> -> memref<1x128x128xf32, #tpu.memory_space<vmem>>
    %dma_start3A_7 = tpu.memref_squeeze %dma_start3A_6 : memref<1x128x128xf32, #tpu.memory_space<vmem>> -> memref<128x128xf32, #tpu.memory_space<vmem>>
    %dma_start3A_8 = arith.constant 0 : i32
    %dma_start3A_9 = tpu.memref_slice %arg5[%dma_start3A, %dma_start3A_8] : memref<200x128xi32, #tpu.memory_space<vmem>> -> memref<1x128xi32, #tpu.memory_space<vmem>>
    %dma_start3A_10 = tpu.memref_squeeze %dma_start3A_9 : memref<1x128xi32, #tpu.memory_space<vmem>> -> memref<128xi32, #tpu.memory_space<vmem>>
    %dma_start3A_11 = arith.constant 0 : i32
    %dma_start3A_12 = arith.constant 0 : i32
    %dma_start3A_13 = tpu.memref_slice %arg3[%dma_start3A_11, %dma_start3A_12] : memref<1000000x128xf32, #tpu.memory_space<hbm>> -> memref<1000000x128xf32, #tpu.memory_space<hbm>>
    tpu.enqueue_indirect_dma source(%dma_start3A_13 : memref<1000000x128xf32, #tpu.memory_space<hbm>>) target(%dma_start3A_7 : memref<128x128xf32, #tpu.memory_space<vmem>>) offsets(%dma_start3A_10 : memref<128xi32, #tpu.memory_space<vmem>>) semaphore(%arg7 : memref<!tpu.dma_semaphore, #tpu.memory_space<semaphore_mem>>)
    %dma_start3A_14 = arith.constant 1 : i32
    %dma_start3A_15 = arith.constant 0 : i32
    %dma_start3A_16 = arith.constant 128 : i32
    %dma_start3A_17 = arith.constant 0 : i32
    %dma_start3A_18 = tpu.memref_slice %arg6[%dma_start3A_15, %dma_start3A_16, %dma_start3A_17] : memref<2x256x128xf32, #tpu.memory_space<vmem>> -> memref<1x128x128xf32, #tpu.memory_space<vmem>>
    %dma_start3A_19 = tpu.memref_squeeze %dma_start3A_18 : memref<1x128x128xf32, #tpu.memory_space<vmem>> -> memref<128x128xf32, #tpu.memory_space<vmem>>
    %dma_start3A_20 = arith.constant 0 : i32
    %dma_start3A_21 = tpu.memref_slice %arg5[%dma_start3A_14, %dma_start3A_20] : memref<200x128xi32, #tpu.memory_space<vmem>> -> memref<1x128xi32, #tpu.memory_space<vmem>>
    %dma_start3A_22 = tpu.memref_squeeze %dma_start3A_21 : memref<1x128xi32, #tpu.memory_space<vmem>> -> memref<128xi32, #tpu.memory_space<vmem>>
    %dma_start3A_23 = arith.constant 0 : i32
    %dma_start3A_24 = arith.constant 0 : i32
    %dma_start3A_25 = tpu.memref_slice %arg3[%dma_start3A_23, %dma_start3A_24] : memref<1000000x128xf32, #tpu.memory_space<hbm>> -> memref<1000000x128xf32, #tpu.memory_space<hbm>>
    tpu.enqueue_indirect_dma source(%dma_start3A_25 : memref<1000000x128xf32, #tpu.memory_space<hbm>>) target(%dma_start3A_19 : memref<128x128xf32, #tpu.memory_space<vmem>>) offsets(%dma_start3A_22 : memref<128xi32, #tpu.memory_space<vmem>>) semaphore(%arg7 : memref<!tpu.dma_semaphore, #tpu.memory_space<semaphore_mem>>)
    %scan3A = arith.constant 0 : i32
    %scan3A_26 = arith.constant 0 : i32
    %scan3A_27 = arith.constant 50 : i32
    %scan3A_28 = arith.addi %scan3A_26, %scan3A_27 : i32
    %scan3A_29 = arith.constant 1 : i32
    scf.for %scan3A_54 = %scan3A_26 to %scan3A_28 step %scan3A_29  : i32 {
      %mul3A_55 = arith.constant 2 : i32
      %mul3A_56 = arith.muli %mul3A_55, %scan3A_54 : i32
      %mul3A_57 = arith.constant 2 : i32
      %mul3A_58 = arith.muli %mul3A_57, %scan3A_54 : i32
      %add3A_59 = arith.constant 1 : i32
      %add3A_60 = arith.addi %mul3A_58, %add3A_59 : i32
      %mul3A_61 = arith.constant 2 : i32
      %mul3A_62 = arith.muli %mul3A_56, %mul3A_61 : i32
      %add3A_63 = arith.constant 0 : i32
      %add3A_64 = arith.addi %mul3A_62, %add3A_63 : i32
      %mul3A_65 = arith.constant 2 : i32
      %mul3A_66 = arith.muli %mul3A_56, %mul3A_65 : i32
      %add3A_67 = arith.constant 1 : i32
      %add3A_68 = arith.addi %mul3A_66, %add3A_67 : i32
      %dma_wait3A_69 = arith.constant 0 : i32
      %dma_wait3A_70 = arith.constant 0 : i32
      %dma_wait3A_71 = arith.constant 0 : i32
      %dma_wait3A_72 = tpu.memref_slice %arg6[%dma_wait3A_69, %dma_wait3A_70, %dma_wait3A_71] : memref<2x256x128xf32, #tpu.memory_space<vmem>> -> memref<1x128x128xf32, #tpu.memory_space<vmem>>
      %dma_wait3A_73 = tpu.memref_squeeze %dma_wait3A_72 : memref<1x128x128xf32, #tpu.memory_space<vmem>> -> memref<128x128xf32, #tpu.memory_space<vmem>>
      %dma_wait3A_74 = arith.constant 0 : i32
      %dma_wait3A_75 = tpu.memref_slice %arg5[%add3A_64, %dma_wait3A_74] : memref<200x128xi32, #tpu.memory_space<vmem>> -> memref<1x128xi32, #tpu.memory_space<vmem>>
      %dma_wait3A_76 = tpu.memref_squeeze %dma_wait3A_75 : memref<1x128xi32, #tpu.memory_space<vmem>> -> memref<128xi32, #tpu.memory_space<vmem>>
      %dma_wait3A_77 = arith.constant 0 : i32
      %dma_wait3A_78 = arith.constant 0 : i32
      %dma_wait3A_79 = tpu.memref_slice %arg3[%dma_wait3A_77, %dma_wait3A_78] : memref<1000000x128xf32, #tpu.memory_space<hbm>> -> memref<1000000x128xf32, #tpu.memory_space<hbm>>
      tpu.wait_indirect_dma semaphore(%arg7 : memref<!tpu.dma_semaphore, #tpu.memory_space<semaphore_mem>>) src(%dma_wait3A_79 : memref<1000000x128xf32, #tpu.memory_space<hbm>>) dst(%dma_wait3A_73 : memref<128x128xf32, #tpu.memory_space<vmem>>)
      %dma_wait3A_80 = arith.constant 0 : i32
      %dma_wait3A_81 = arith.constant 128 : i32
      %dma_wait3A_82 = arith.constant 0 : i32
      %dma_wait3A_83 = tpu.memref_slice %arg6[%dma_wait3A_80, %dma_wait3A_81, %dma_wait3A_82] : memref<2x256x128xf32, #tpu.memory_space<vmem>> -> memref<1x128x128xf32, #tpu.memory_space<vmem>>
      %dma_wait3A_84 = tpu.memref_squeeze %dma_wait3A_83 : memref<1x128x128xf32, #tpu.memory_space<vmem>> -> memref<128x128xf32, #tpu.memory_space<vmem>>
      %dma_wait3A_85 = arith.constant 0 : i32
      %dma_wait3A_86 = tpu.memref_slice %arg5[%add3A_68, %dma_wait3A_85] : memref<200x128xi32, #tpu.memory_space<vmem>> -> memref<1x128xi32, #tpu.memory_space<vmem>>
      %dma_wait3A_87 = tpu.memref_squeeze %dma_wait3A_86 : memref<1x128xi32, #tpu.memory_space<vmem>> -> memref<128xi32, #tpu.memory_space<vmem>>
      %dma_wait3A_88 = arith.constant 0 : i32
      %dma_wait3A_89 = arith.constant 0 : i32
      %dma_wait3A_90 = tpu.memref_slice %arg3[%dma_wait3A_88, %dma_wait3A_89] : memref<1000000x128xf32, #tpu.memory_space<hbm>> -> memref<1000000x128xf32, #tpu.memory_space<hbm>>
      tpu.wait_indirect_dma semaphore(%arg7 : memref<!tpu.dma_semaphore, #tpu.memory_space<semaphore_mem>>) src(%dma_wait3A_90 : memref<1000000x128xf32, #tpu.memory_space<hbm>>) dst(%dma_wait3A_84 : memref<128x128xf32, #tpu.memory_space<vmem>>)
      %mul3A_91 = arith.constant 2 : i32
      %mul3A_92 = arith.muli %mul3A_56, %mul3A_91 : i32
      %add3A_93 = arith.addi %mul3A_2, %mul3A_92 : i32
      %mul3A_94 = arith.constant 128 : i32
      %mul3A_95 = arith.muli %add3A_93, %mul3A_94 : i32
      %dma_start3A_96 = arith.constant 0 : i32
      %dma_start3A_97 = arith.constant 0 : i32
      %dma_start3A_98 = arith.constant 0 : i32
      %dma_start3A_99 = tpu.memref_slice %arg6[%dma_start3A_96, %dma_start3A_97, %dma_start3A_98] : memref<2x256x128xf32, #tpu.memory_space<vmem>> -> memref<1x256x128xf32, #tpu.memory_space<vmem>>
      %dma_start3A_100 = tpu.memref_squeeze %dma_start3A_99 : memref<1x256x128xf32, #tpu.memory_space<vmem>> -> memref<256x128xf32, #tpu.memory_space<vmem>>
      %dma_start3A_101 = arith.constant 0 : i32
      %dma_start3A_102 = tpu.memref_slice %arg4[%mul3A_95, %dma_start3A_101] : memref<819200x128xf32, #tpu.memory_space<hbm>> -> memref<256x128xf32, #tpu.memory_space<hbm>>
      %dma_start3A_103 = arith.constant 0 : i32
      %dma_start3A_104 = tpu.memref_slice %arg4[%mul3A_95, %dma_start3A_103] : memref<819200x128xf32, #tpu.memory_space<hbm>> -> memref<256x128xf32, #tpu.memory_space<hbm>>
      %dma_start3A_105 = arith.constant 0 : i32
      %dma_start3A_106 = arith.constant 0 : i32
      %dma_start3A_107 = tpu.memref_slice %arg6[%dma_start3A_96, %dma_start3A_105, %dma_start3A_106] : memref<2x256x128xf32, #tpu.memory_space<vmem>> -> memref<1x256x128xf32, #tpu.memory_space<vmem>>
      %dma_start3A_108 = tpu.memref_squeeze %dma_start3A_107 : memref<1x256x128xf32, #tpu.memory_space<vmem>> -> memref<256x128xf32, #tpu.memory_space<vmem>>
      tpu.enqueue_dma source(%dma_start3A_108 : memref<256x128xf32, #tpu.memory_space<vmem>>) target(%dma_start3A_104 : memref<256x128xf32, #tpu.memory_space<hbm>>) target_semaphore(%arg9 : memref<!tpu.dma_semaphore, #tpu.memory_space<semaphore_mem>>)
      %mul3A_109 = arith.constant 2 : i32
      %mul3A_110 = arith.muli %add3A_60, %mul3A_109 : i32
      %add3A_111 = arith.constant 0 : i32
      %add3A_112 = arith.addi %mul3A_110, %add3A_111 : i32
      %mul3A_113 = arith.constant 2 : i32
      %mul3A_114 = arith.muli %add3A_60, %mul3A_113 : i32
      %add3A_115 = arith.constant 1 : i32
      %add3A_116 = arith.addi %mul3A_114, %add3A_115 : i32
      %dma_start3A_117 = arith.constant 1 : i32
      %dma_start3A_118 = arith.constant 0 : i32
      %dma_start3A_119 = arith.constant 0 : i32
      %dma_start3A_120 = tpu.memref_slice %arg6[%dma_start3A_117, %dma_start3A_118, %dma_start3A_119] : memref<2x256x128xf32, #tpu.memory_space<vmem>> -> memref<1x128x128xf32, #tpu.memory_space<vmem>>
      %dma_start3A_121 = tpu.memref_squeeze %dma_start3A_120 : memref<1x128x128xf32, #tpu.memory_space<vmem>> -> memref<128x128xf32, #tpu.memory_space<vmem>>
      %dma_start3A_122 = arith.constant 0 : i32
      %dma_start3A_123 = tpu.memref_slice %arg5[%add3A_112, %dma_start3A_122] : memref<200x128xi32, #tpu.memory_space<vmem>> -> memref<1x128xi32, #tpu.memory_space<vmem>>
      %dma_start3A_124 = tpu.memref_squeeze %dma_start3A_123 : memref<1x128xi32, #tpu.memory_space<vmem>> -> memref<128xi32, #tpu.memory_space<vmem>>
      %dma_start3A_125 = arith.constant 0 : i32
      %dma_start3A_126 = arith.constant 0 : i32
      %dma_start3A_127 = tpu.memref_slice %arg3[%dma_start3A_125, %dma_start3A_126] : memref<1000000x128xf32, #tpu.memory_space<hbm>> -> memref<1000000x128xf32, #tpu.memory_space<hbm>>
      tpu.enqueue_indirect_dma source(%dma_start3A_127 : memref<1000000x128xf32, #tpu.memory_space<hbm>>) target(%dma_start3A_121 : memref<128x128xf32, #tpu.memory_space<vmem>>) offsets(%dma_start3A_124 : memref<128xi32, #tpu.memory_space<vmem>>) semaphore(%arg8 : memref<!tpu.dma_semaphore, #tpu.memory_space<semaphore_mem>>)
      %dma_start3A_128 = arith.constant 1 : i32
      %dma_start3A_129 = arith.constant 128 : i32
      %dma_start3A_130 = arith.constant 0 : i32
      %dma_start3A_131 = tpu.memref_slice %arg6[%dma_start3A_128, %dma_start3A_129, %dma_start3A_130] : memref<2x256x128xf32, #tpu.memory_space<vmem>> -> memref<1x128x128xf32, #tpu.memory_space<vmem>>
      %dma_start3A_132 = tpu.memref_squeeze %dma_start3A_131 : memref<1x128x128xf32, #tpu.memory_space<vmem>> -> memref<128x128xf32, #tpu.memory_space<vmem>>
      %dma_start3A_133 = arith.constant 0 : i32
      %dma_start3A_134 = tpu.memref_slice %arg5[%add3A_116, %dma_start3A_133] : memref<200x128xi32, #tpu.memory_space<vmem>> -> memref<1x128xi32, #tpu.memory_space<vmem>>
      %dma_start3A_135 = tpu.memref_squeeze %dma_start3A_134 : memref<1x128xi32, #tpu.memory_space<vmem>> -> memref<128xi32, #tpu.memory_space<vmem>>
      %dma_start3A_136 = arith.constant 0 : i32
      %dma_start3A_137 = arith.constant 0 : i32
      %dma_start3A_138 = tpu.memref_slice %arg3[%dma_start3A_136, %dma_start3A_137] : memref<1000000x128xf32, #tpu.memory_space<hbm>> -> memref<1000000x128xf32, #tpu.memory_space<hbm>>
      tpu.enqueue_indirect_dma source(%dma_start3A_138 : memref<1000000x128xf32, #tpu.memory_space<hbm>>) target(%dma_start3A_132 : memref<128x128xf32, #tpu.memory_space<vmem>>) offsets(%dma_start3A_135 : memref<128xi32, #tpu.memory_space<vmem>>) semaphore(%arg8 : memref<!tpu.dma_semaphore, #tpu.memory_space<semaphore_mem>>)
      %mul3A_139 = arith.constant 2 : i32
      %mul3A_140 = arith.muli %add3A_60, %mul3A_139 : i32
      %add3A_141 = arith.constant 0 : i32
      %add3A_142 = arith.addi %mul3A_140, %add3A_141 : i32
      %mul3A_143 = arith.constant 2 : i32
      %mul3A_144 = arith.muli %add3A_60, %mul3A_143 : i32
      %add3A_145 = arith.constant 1 : i32
      %add3A_146 = arith.addi %mul3A_144, %add3A_145 : i32
      %dma_wait3A_147 = arith.constant 1 : i32
      %dma_wait3A_148 = arith.constant 0 : i32
      %dma_wait3A_149 = arith.constant 0 : i32
      %dma_wait3A_150 = tpu.memref_slice %arg6[%dma_wait3A_147, %dma_wait3A_148, %dma_wait3A_149] : memref<2x256x128xf32, #tpu.memory_space<vmem>> -> memref<1x128x128xf32, #tpu.memory_space<vmem>>
      %dma_wait3A_151 = tpu.memref_squeeze %dma_wait3A_150 : memref<1x128x128xf32, #tpu.memory_space<vmem>> -> memref<128x128xf32, #tpu.memory_space<vmem>>
      %dma_wait3A_152 = arith.constant 0 : i32
      %dma_wait3A_153 = tpu.memref_slice %arg5[%add3A_142, %dma_wait3A_152] : memref<200x128xi32, #tpu.memory_space<vmem>> -> memref<1x128xi32, #tpu.memory_space<vmem>>
      %dma_wait3A_154 = tpu.memref_squeeze %dma_wait3A_153 : memref<1x128xi32, #tpu.memory_space<vmem>> -> memref<128xi32, #tpu.memory_space<vmem>>
      %dma_wait3A_155 = arith.constant 0 : i32
      %dma_wait3A_156 = arith.constant 0 : i32
      %dma_wait3A_157 = tpu.memref_slice %arg3[%dma_wait3A_155, %dma_wait3A_156] : memref<1000000x128xf32, #tpu.memory_space<hbm>> -> memref<1000000x128xf32, #tpu.memory_space<hbm>>
      tpu.wait_indirect_dma semaphore(%arg8 : memref<!tpu.dma_semaphore, #tpu.memory_space<semaphore_mem>>) src(%dma_wait3A_157 : memref<1000000x128xf32, #tpu.memory_space<hbm>>) dst(%dma_wait3A_151 : memref<128x128xf32, #tpu.memory_space<vmem>>)
      %dma_wait3A_158 = arith.constant 1 : i32
      %dma_wait3A_159 = arith.constant 128 : i32
      %dma_wait3A_160 = arith.constant 0 : i32
      %dma_wait3A_161 = tpu.memref_slice %arg6[%dma_wait3A_158, %dma_wait3A_159, %dma_wait3A_160] : memref<2x256x128xf32, #tpu.memory_space<vmem>> -> memref<1x128x128xf32, #tpu.memory_space<vmem>>
      %dma_wait3A_162 = tpu.memref_squeeze %dma_wait3A_161 : memref<1x128x128xf32, #tpu.memory_space<vmem>> -> memref<128x128xf32, #tpu.memory_space<vmem>>
      %dma_wait3A_163 = arith.constant 0 : i32
      %dma_wait3A_164 = tpu.memref_slice %arg5[%add3A_146, %dma_wait3A_163] : memref<200x128xi32, #tpu.memory_space<vmem>> -> memref<1x128xi32, #tpu.memory_space<vmem>>
      %dma_wait3A_165 = tpu.memref_squeeze %dma_wait3A_164 : memref<1x128xi32, #tpu.memory_space<vmem>> -> memref<128xi32, #tpu.memory_space<vmem>>
      %dma_wait3A_166 = arith.constant 0 : i32
      %dma_wait3A_167 = arith.constant 0 : i32
      %dma_wait3A_168 = tpu.memref_slice %arg3[%dma_wait3A_166, %dma_wait3A_167] : memref<1000000x128xf32, #tpu.memory_space<hbm>> -> memref<1000000x128xf32, #tpu.memory_space<hbm>>
      tpu.wait_indirect_dma semaphore(%arg8 : memref<!tpu.dma_semaphore, #tpu.memory_space<semaphore_mem>>) src(%dma_wait3A_168 : memref<1000000x128xf32, #tpu.memory_space<hbm>>) dst(%dma_wait3A_162 : memref<128x128xf32, #tpu.memory_space<vmem>>)
      %mul3A_169 = arith.constant 2 : i32
      %mul3A_170 = arith.muli %add3A_60, %mul3A_169 : i32
      %add3A_171 = arith.addi %mul3A_2, %mul3A_170 : i32
      %mul3A_172 = arith.constant 128 : i32
      %mul3A_173 = arith.muli %add3A_171, %mul3A_172 : i32
      %dma_start3A_174 = arith.constant 1 : i32
      %dma_start3A_175 = arith.constant 0 : i32
      %dma_start3A_176 = arith.constant 0 : i32
      %dma_start3A_177 = tpu.memref_slice %arg6[%dma_start3A_174, %dma_start3A_175, %dma_start3A_176] : memref<2x256x128xf32, #tpu.memory_space<vmem>> -> memref<1x256x128xf32, #tpu.memory_space<vmem>>
      %dma_start3A_178 = tpu.memref_squeeze %dma_start3A_177 : memref<1x256x128xf32, #tpu.memory_space<vmem>> -> memref<256x128xf32, #tpu.memory_space<vmem>>
      %dma_start3A_179 = arith.constant 0 : i32
      %dma_start3A_180 = tpu.memref_slice %arg4[%mul3A_173, %dma_start3A_179] : memref<819200x128xf32, #tpu.memory_space<hbm>> -> memref<256x128xf32, #tpu.memory_space<hbm>>
      %dma_start3A_181 = arith.constant 0 : i32
      %dma_start3A_182 = tpu.memref_slice %arg4[%mul3A_173, %dma_start3A_181] : memref<819200x128xf32, #tpu.memory_space<hbm>> -> memref<256x128xf32, #tpu.memory_space<hbm>>
      %dma_start3A_183 = arith.constant 0 : i32
      %dma_start3A_184 = arith.constant 0 : i32
      %dma_start3A_185 = tpu.memref_slice %arg6[%dma_start3A_174, %dma_start3A_183, %dma_start3A_184] : memref<2x256x128xf32, #tpu.memory_space<vmem>> -> memref<1x256x128xf32, #tpu.memory_space<vmem>>
      %dma_start3A_186 = tpu.memref_squeeze %dma_start3A_185 : memref<1x256x128xf32, #tpu.memory_space<vmem>> -> memref<256x128xf32, #tpu.memory_space<vmem>>
      tpu.enqueue_dma source(%dma_start3A_186 : memref<256x128xf32, #tpu.memory_space<vmem>>) target(%dma_start3A_182 : memref<256x128xf32, #tpu.memory_space<hbm>>) target_semaphore(%arg10 : memref<!tpu.dma_semaphore, #tpu.memory_space<semaphore_mem>>)
      %mul3A_187 = arith.constant 2 : i32
      %mul3A_188 = arith.muli %mul3A_56, %mul3A_187 : i32
      %add3A_189 = arith.addi %mul3A_2, %mul3A_188 : i32
      %mul3A_190 = arith.constant 128 : i32
      %mul3A_191 = arith.muli %add3A_189, %mul3A_190 : i32
      %dma_wait3A_192 = arith.constant 0 : i32
      %dma_wait3A_193 = arith.constant 0 : i32
      %dma_wait3A_194 = arith.constant 0 : i32
      %dma_wait3A_195 = tpu.memref_slice %arg6[%dma_wait3A_192, %dma_wait3A_193, %dma_wait3A_194] : memref<2x256x128xf32, #tpu.memory_space<vmem>> -> memref<1x256x128xf32, #tpu.memory_space<vmem>>
      %dma_wait3A_196 = tpu.memref_squeeze %dma_wait3A_195 : memref<1x256x128xf32, #tpu.memory_space<vmem>> -> memref<256x128xf32, #tpu.memory_space<vmem>>
      %dma_wait3A_197 = arith.constant 0 : i32
      %dma_wait3A_198 = tpu.memref_slice %arg4[%mul3A_191, %dma_wait3A_197] : memref<819200x128xf32, #tpu.memory_space<hbm>> -> memref<256x128xf32, #tpu.memory_space<hbm>>
      %dma_wait3A_199 = arith.constant 0 : i32
      %dma_wait3A_200 = tpu.memref_slice %arg4[%mul3A_191, %dma_wait3A_199] : memref<819200x128xf32, #tpu.memory_space<hbm>> -> memref<256x128xf32, #tpu.memory_space<hbm>>
      %dma_wait3A_201 = arith.constant 0 : i32
      %dma_wait3A_202 = arith.constant 0 : i32
      %dma_wait3A_203 = tpu.memref_slice %arg6[%dma_wait3A_192, %dma_wait3A_201, %dma_wait3A_202] : memref<2x256x128xf32, #tpu.memory_space<vmem>> -> memref<1x256x128xf32, #tpu.memory_space<vmem>>
      %dma_wait3A_204 = tpu.memref_squeeze %dma_wait3A_203 : memref<1x256x128xf32, #tpu.memory_space<vmem>> -> memref<256x128xf32, #tpu.memory_space<vmem>>
      tpu.wait_dma2 semaphore(%arg9 : memref<!tpu.dma_semaphore, #tpu.memory_space<semaphore_mem>>) src(%dma_wait3A_204 : memref<256x128xf32, #tpu.memory_space<vmem>>) dst(%dma_wait3A_200 : memref<256x128xf32, #tpu.memory_space<hbm>>)
      %add3A_205 = arith.constant 2 : i32
      %add3A_206 = arith.addi %mul3A_56, %add3A_205 : i32
      %min3A = arith.constant 99 : i32
      %min3A_207 = arith.minsi %add3A_206, %min3A : i32
      %mul3A_208 = arith.constant 2 : i32
      %mul3A_209 = arith.muli %min3A_207, %mul3A_208 : i32
      %add3A_210 = arith.constant 0 : i32
      %add3A_211 = arith.addi %mul3A_209, %add3A_210 : i32
      %mul3A_212 = arith.constant 2 : i32
      %mul3A_213 = arith.muli %min3A_207, %mul3A_212 : i32
      %add3A_214 = arith.constant 1 : i32
      %add3A_215 = arith.addi %mul3A_213, %add3A_214 : i32
      %dma_start3A_216 = arith.constant 0 : i32
      %dma_start3A_217 = arith.constant 0 : i32
      %dma_start3A_218 = arith.constant 0 : i32
      %dma_start3A_219 = tpu.memref_slice %arg6[%dma_start3A_216, %dma_start3A_217, %dma_start3A_218] : memref<2x256x128xf32, #tpu.memory_space<vmem>> -> memref<1x128x128xf32, #tpu.memory_space<vmem>>
      %dma_start3A_220 = tpu.memref_squeeze %dma_start3A_219 : memref<1x128x128xf32, #tpu.memory_space<vmem>> -> memref<128x128xf32, #tpu.memory_space<vmem>>
      %dma_start3A_221 = arith.constant 0 : i32
      %dma_start3A_222 = tpu.memref_slice %arg5[%add3A_211, %dma_start3A_221] : memref<200x128xi32, #tpu.memory_space<vmem>> -> memref<1x128xi32, #tpu.memory_space<vmem>>
      %dma_start3A_223 = tpu.memref_squeeze %dma_start3A_222 : memref<1x128xi32, #tpu.memory_space<vmem>> -> memref<128xi32, #tpu.memory_space<vmem>>
      %dma_start3A_224 = arith.constant 0 : i32
      %dma_start3A_225 = arith.constant 0 : i32
      %dma_start3A_226 = tpu.memref_slice %arg3[%dma_start3A_224, %dma_start3A_225] : memref<1000000x128xf32, #tpu.memory_space<hbm>> -> memref<1000000x128xf32, #tpu.memory_space<hbm>>
      tpu.enqueue_indirect_dma source(%dma_start3A_226 : memref<1000000x128xf32, #tpu.memory_space<hbm>>) target(%dma_start3A_220 : memref<128x128xf32, #tpu.memory_space<vmem>>) offsets(%dma_start3A_223 : memref<128xi32, #tpu.memory_space<vmem>>) semaphore(%arg7 : memref<!tpu.dma_semaphore, #tpu.memory_space<semaphore_mem>>)
      %dma_start3A_227 = arith.constant 0 : i32
      %dma_start3A_228 = arith.constant 128 : i32
      %dma_start3A_229 = arith.constant 0 : i32
      %dma_start3A_230 = tpu.memref_slice %arg6[%dma_start3A_227, %dma_start3A_228, %dma_start3A_229] : memref<2x256x128xf32, #tpu.memory_space<vmem>> -> memref<1x128x128xf32, #tpu.memory_space<vmem>>
      %dma_start3A_231 = tpu.memref_squeeze %dma_start3A_230 : memref<1x128x128xf32, #tpu.memory_space<vmem>> -> memref<128x128xf32, #tpu.memory_space<vmem>>
      %dma_start3A_232 = arith.constant 0 : i32
      %dma_start3A_233 = tpu.memref_slice %arg5[%add3A_215, %dma_start3A_232] : memref<200x128xi32, #tpu.memory_space<vmem>> -> memref<1x128xi32, #tpu.memory_space<vmem>>
      %dma_start3A_234 = tpu.memref_squeeze %dma_start3A_233 : memref<1x128xi32, #tpu.memory_space<vmem>> -> memref<128xi32, #tpu.memory_space<vmem>>
      %dma_start3A_235 = arith.constant 0 : i32
      %dma_start3A_236 = arith.constant 0 : i32
      %dma_start3A_237 = tpu.memref_slice %arg3[%dma_start3A_235, %dma_start3A_236] : memref<1000000x128xf32, #tpu.memory_space<hbm>> -> memref<1000000x128xf32, #tpu.memory_space<hbm>>
      tpu.enqueue_indirect_dma source(%dma_start3A_237 : memref<1000000x128xf32, #tpu.memory_space<hbm>>) target(%dma_start3A_231 : memref<128x128xf32, #tpu.memory_space<vmem>>) offsets(%dma_start3A_234 : memref<128xi32, #tpu.memory_space<vmem>>) semaphore(%arg7 : memref<!tpu.dma_semaphore, #tpu.memory_space<semaphore_mem>>)
      %mul3A_238 = arith.constant 2 : i32
      %mul3A_239 = arith.muli %add3A_60, %mul3A_238 : i32
      %add3A_240 = arith.addi %mul3A_2, %mul3A_239 : i32
      %mul3A_241 = arith.constant 128 : i32
      %mul3A_242 = arith.muli %add3A_240, %mul3A_241 : i32
      %dma_wait3A_243 = arith.constant 1 : i32
      %dma_wait3A_244 = arith.constant 0 : i32
      %dma_wait3A_245 = arith.constant 0 : i32
      %dma_wait3A_246 = tpu.memref_slice %arg6[%dma_wait3A_243, %dma_wait3A_244, %dma_wait3A_245] : memref<2x256x128xf32, #tpu.memory_space<vmem>> -> memref<1x256x128xf32, #tpu.memory_space<vmem>>
      %dma_wait3A_247 = tpu.memref_squeeze %dma_wait3A_246 : memref<1x256x128xf32, #tpu.memory_space<vmem>> -> memref<256x128xf32, #tpu.memory_space<vmem>>
      %dma_wait3A_248 = arith.constant 0 : i32
      %dma_wait3A_249 = tpu.memref_slice %arg4[%mul3A_242, %dma_wait3A_248] : memref<819200x128xf32, #tpu.memory_space<hbm>> -> memref<256x128xf32, #tpu.memory_space<hbm>>
      %dma_wait3A_250 = arith.constant 0 : i32
      %dma_wait3A_251 = tpu.memref_slice %arg4[%mul3A_242, %dma_wait3A_250] : memref<819200x128xf32, #tpu.memory_space<hbm>> -> memref<256x128xf32, #tpu.memory_space<hbm>>
      %dma_wait3A_252 = arith.constant 0 : i32
      %dma_wait3A_253 = arith.constant 0 : i32
      %dma_wait3A_254 = tpu.memref_slice %arg6[%dma_wait3A_243, %dma_wait3A_252, %dma_wait3A_253] : memref<2x256x128xf32, #tpu.memory_space<vmem>> -> memref<1x256x128xf32, #tpu.memory_space<vmem>>
      %dma_wait3A_255 = tpu.memref_squeeze %dma_wait3A_254 : memref<1x256x128xf32, #tpu.memory_space<vmem>> -> memref<256x128xf32, #tpu.memory_space<vmem>>
      tpu.wait_dma2 semaphore(%arg10 : memref<!tpu.dma_semaphore, #tpu.memory_space<semaphore_mem>>) src(%dma_wait3A_255 : memref<256x128xf32, #tpu.memory_space<vmem>>) dst(%dma_wait3A_251 : memref<256x128xf32, #tpu.memory_space<hbm>>)
    }
    %scan3A_30 = arith.constant 50 : i32
    %dma_wait3A = arith.constant 198 : i32
    %dma_wait3A_31 = arith.constant 0 : i32
    %dma_wait3A_32 = arith.constant 0 : i32
    %dma_wait3A_33 = arith.constant 0 : i32
    %dma_wait3A_34 = tpu.memref_slice %arg6[%dma_wait3A_31, %dma_wait3A_32, %dma_wait3A_33] : memref<2x256x128xf32, #tpu.memory_space<vmem>> -> memref<1x128x128xf32, #tpu.memory_space<vmem>>
    %dma_wait3A_35 = tpu.memref_squeeze %dma_wait3A_34 : memref<1x128x128xf32, #tpu.memory_space<vmem>> -> memref<128x128xf32, #tpu.memory_space<vmem>>
    %dma_wait3A_36 = arith.constant 0 : i32
    %dma_wait3A_37 = tpu.memref_slice %arg5[%dma_wait3A, %dma_wait3A_36] : memref<200x128xi32, #tpu.memory_space<vmem>> -> memref<1x128xi32, #tpu.memory_space<vmem>>
    %dma_wait3A_38 = tpu.memref_squeeze %dma_wait3A_37 : memref<1x128xi32, #tpu.memory_space<vmem>> -> memref<128xi32, #tpu.memory_space<vmem>>
    %dma_wait3A_39 = arith.constant 0 : i32
    %dma_wait3A_40 = arith.constant 0 : i32
    %dma_wait3A_41 = tpu.memref_slice %arg3[%dma_wait3A_39, %dma_wait3A_40] : memref<1000000x128xf32, #tpu.memory_space<hbm>> -> memref<1000000x128xf32, #tpu.memory_space<hbm>>
    tpu.wait_indirect_dma semaphore(%arg7 : memref<!tpu.dma_semaphore, #tpu.memory_space<semaphore_mem>>) src(%dma_wait3A_41 : memref<1000000x128xf32, #tpu.memory_space<hbm>>) dst(%dma_wait3A_35 : memref<128x128xf32, #tpu.memory_space<vmem>>)
    %dma_wait3A_42 = arith.constant 199 : i32
    %dma_wait3A_43 = arith.constant 0 : i32
    %dma_wait3A_44 = arith.constant 128 : i32
    %dma_wait3A_45 = arith.constant 0 : i32
    %dma_wait3A_46 = tpu.memref_slice %arg6[%dma_wait3A_43, %dma_wait3A_44, %dma_wait3A_45] : memref<2x256x128xf32, #tpu.memory_space<vmem>> -> memref<1x128x128xf32, #tpu.memory_space<vmem>>
    %dma_wait3A_47 = tpu.memref_squeeze %dma_wait3A_46 : memref<1x128x128xf32, #tpu.memory_space<vmem>> -> memref<128x128xf32, #tpu.memory_space<vmem>>
    %dma_wait3A_48 = arith.constant 0 : i32
    %dma_wait3A_49 = tpu.memref_slice %arg5[%dma_wait3A_42, %dma_wait3A_48] : memref<200x128xi32, #tpu.memory_space<vmem>> -> memref<1x128xi32, #tpu.memory_space<vmem>>
    %dma_wait3A_50 = tpu.memref_squeeze %dma_wait3A_49 : memref<1x128xi32, #tpu.memory_space<vmem>> -> memref<128xi32, #tpu.memory_space<vmem>>
    %dma_wait3A_51 = arith.constant 0 : i32
    %dma_wait3A_52 = arith.constant 0 : i32
    %dma_wait3A_53 = tpu.memref_slice %arg3[%dma_wait3A_51, %dma_wait3A_52] : memref<1000000x128xf32, #tpu.memory_space<hbm>> -> memref<1000000x128xf32, #tpu.memory_space<hbm>>
    tpu.wait_indirect_dma semaphore(%arg7 : memref<!tpu.dma_semaphore, #tpu.memory_space<semaphore_mem>>) src(%dma_wait3A_53 : memref<1000000x128xf32, #tpu.memory_space<hbm>>) dst(%dma_wait3A_47 : memref<128x128xf32, #tpu.memory_space<vmem>>)
    return
  }
}

</mosaic_0001>

<sc_bundles>
// kernel: kernel.3.cloned.1.call-start
scs
__scs_entry_jumppad:
0x0: {  	(pc) =	sbr.rel $0x88, $3  }
0x1: {  	(tag) =	ssettag $0x0;
	lr =	simm.s32 $0x1  }
0x2: {  	[smem:$0x3F9E] =	sst lr;
	_ =	strace $0xD0000000  }
0x3: {  	_ = 	snop  }
0x4: {  	_ = 	snop  }
0x5: {  	_ = 	snop  }
0x6: {  	_ = 	snop  }
0x7: {  	_ = 	snop  }
__scs_overlays_trampoline_lowered:
0x8: {  	[smem:$0x3FAD] =	sst s0  }
0x9: {  	[smem:$0x3FAE] =	sst s1  }
0xa: {  	[smem:$0x3FAF] =	sst s2  }
0xb: {  	[smem:$0x3FB0] =	sst s3  }
0xc: {  	[smem:$0x3FB1] =	sst s4  }
0xd: {  	[smem:$0x3FB2] =	sst s5  }
0xe: {  	[smem:$0x3FB3] =	sst s6  }
0xf: {  	[smem:$0x3FB4] =	sst s7  }
0x10: {  	[smem:$0x3FB5] =	sst s8  }
0x11: {  	[smem:$0x3FB6] =	sst s9;
	s0 =	simm.s32 @!p0 $0x0  }
0x12: {  	s1 =	sld [smem:$0x3F9C];
	s0 =	simm.s32 @p0 $0x1  }
0x13: {  	[smem:$0x3FB7] =	sst s0;
	s0 =	simm.s32 @!p1 $0x0  }
0x14: {  	s2 =	sld [smem:$0x3F9B];
	s0 =	simm.s32 @p1 $0x1  }
0x15: {  	[smem:$0x3FB8] =	sst s0;
	s0 =	simm.s32 @!p2 $0x0  }
0x16: {  	s3 =	sld [smem:$0x3FDB];
	s0 =	simm.s32 @p2 $0x1  }
0x17: {  	s4 =	simm.s32 $0x1BF5;
	[smem:$0x3FBA] =	sst s0  }
0x18: {  	s0 =	sld [smem:$0x3F9D];
	_ =	swait.ge [sflag:s4], $0x0  }
0x19: {  	s7 =	sld [smem:$0x3F9E]  }
0x1a: {  	s8 =	sadd.s32 $0xFFFFE003, lr  }
0x1b: {  	s9 =	sadd.s32 $0xFFFFFEF7, lr;
	s5 =	simm.s32 $0xFFFFFFFF;
	p2 =	slt.u32 s8, $0xFFFFF086  }
0x1c: {  	p1 =	slt.u32 s9, $0xF7A;
	s5 =	simm.s32 @!p2 $0x0  }
0x1d: {  	s5 =	simm.s32 @p1 $0x1;
	p0 =	seq.s32 s7, s2  }
0x1e: {  	s7 =	smul.u32 @!p0 $0xF7A, s2;
	p2 =	seq.s32 @!p0 s5, $0x0  }
0x1f: {  	s9 =	smul.u32 $0xF7A, s1;
	s8 =	simm.s32 @!p0 $0x1BF5;
	p2 =	por !p2, p0  }
0x20: {  	[sflag:s8] =	ssyncset.s32 @!p0 $0xFFFFF086;
	s6 =	sadd.s32 @!p0 s3, s7;
	s7 =	simm.s32 @!p0 $0x108  }
0x21: {  	s3 =	sadd.s32 s3, s9;
	s6 =	sadd.s32 @!p0 $0x88, s6;
	s7 =	simm.s32 @p2 $0x1082  }
0x22: {  	[simem:s7], [sflag:s8] =	dma.local @!p0 [hbm:s6], $0xF7A  }
0x23: {  	s9 =	sor.u32 $0xD0000000, s2;
	s6 =	simm.s32 $0x108;
	_ =	swait.ge @!p0 [sflag:s8], $0x0  }
0x24: {  	s3 =	sadd.s32 $0x88, s3;
	s6 =	simm.s32 @!p1 $0x1082;
	[sflag:s4] =	ssyncset.s32 $0xFFFFF086  }
0x25: {  	[simem:s6], [sflag:s4] =	dma.local [hbm:s3], $0xF7A  }
0x26: {  	[smem:$0x3F9E] =	sst s1;
	(tag) =	ssettag s2;
	_ =	strace s9  }
0x27: {  	s1 =	sld [smem:$0x3FAE]  }
0x28: {  	s2 =	sld [smem:$0x3FAF]  }
0x29: {  	s4 =	sld [smem:$0x3FB1]  }
0x2a: {  	p0 =	seq.s32 s5, $0x0;
	s5 =	sld [smem:$0x3FB2]  }
0x2b: {  	s6 =	sld [smem:$0x3FB3]  }
0x2c: {  	s7 =	sld [smem:$0x3FB4]  }
0x2d: {  	s3 =	simm.s32 $0x108;
	s8 =	sld [smem:$0x3FB5]  }
0x2e: {  	s3 =	simm.s32 @!p0 $0x1082;
	s9 =	sld [smem:$0x3FB6]  }
0x2f: {  	lr =	sadd.s32 s0, s3;
	s0 =	sld [smem:$0x3FAD]  }
0x30: {  	s3 =	sld [smem:$0x3FB0]  }
0x31: {  	[smem:$0x3FB9] =	sst s10  }
0x32: {  	s10 =	sld [smem:$0x3FB7];
	_ =	sdelay $0x3  }
0x33: {  	p0 =	seq.s32 s10, $0x1;
	s10 =	sld [smem:$0x3FB9];
	_ =	sdelay $0x3  }
0x34: {  	[smem:$0x3FB9] =	sst s10  }
0x35: {  	s10 =	sld [smem:$0x3FB8];
	_ =	sdelay $0x3  }
0x36: {  	p1 =	seq.s32 s10, $0x1;
	s10 =	sld [smem:$0x3FB9];
	_ =	sdelay $0x3  }
0x37: {  	[smem:$0x3FB9] =	sst s10  }
0x38: {  	s10 =	sld [smem:$0x3FBA]  }
0x39: {  	_ = 	snop;
	(pc) =	sbr.ind lr, $3  }
0x3a: {  	_ = 	snop  }
0x3b: {  	_ = 	snop  }
0x3c: {  	p2 =	seq.s32 s10, $0x1;
	s10 =	sld [smem:$0x3FB9]  }
0x3d: {  	_ =	shalt  }
0x3e: {  	_ =	shalt  }
0x3f: {  	_ =	shalt  }
0x40: {  	_ =	shalt  }
0x41: {  	_ =	shalt  }
0x42: {  	_ =	shalt  }
0x43: {  	_ =	shalt  }
0x44: {  	_ =	shalt  }
0x45: {  	_ =	shalt  }
0x46: {  	_ =	shalt  }
0x47: {  	_ =	shalt  }
0x48: {  	_ =	shalt  }
0x49: {  	_ =	shalt  }
0x4a: {  	_ =	shalt  }
0x4b: {  	_ =	shalt  }
0x4c: {  	_ =	shalt  }
0x4d: {  	_ =	shalt  }
0x4e: {  	_ =	shalt  }
0x4f: {  	_ =	shalt  }
0x50: {  	_ =	shalt  }
0x51: {  	_ =	shalt  }
0x52: {  	_ =	shalt  }
0x53: {  	_ =	shalt  }
0x54: {  	_ =	shalt  }
0x55: {  	_ =	shalt  }
0x56: {  	_ =	shalt  }
0x57: {  	_ =	shalt  }
0x58: {  	_ =	shalt  }
0x59: {  	_ =	shalt  }
0x5a: {  	_ =	shalt  }
0x5b: {  	_ =	shalt  }
0x5c: {  	_ =	shalt  }
0x5d: {  	_ =	shalt  }
0x5e: {  	_ =	shalt  }
0x5f: {  	_ =	shalt  }
0x60: {  	_ =	shalt  }
0x61: {  	_ =	shalt  }
0x62: {  	_ =	shalt  }
0x63: {  	_ =	shalt  }
0x64: {  	_ =	shalt  }
0x65: {  	_ =	shalt  }
0x66: {  	_ =	shalt  }
0x67: {  	_ =	shalt  }
0x68: {  	_ =	shalt  }
0x69: {  	_ =	shalt  }
0x6a: {  	_ =	shalt  }
0x6b: {  	_ =	shalt  }
0x6c: {  	_ =	shalt  }
0x6d: {  	_ =	shalt  }
0x6e: {  	_ =	shalt  }
0x6f: {  	_ =	shalt  }
0x70: {  	_ =	shalt  }
0x71: {  	_ =	shalt  }
0x72: {  	_ =	shalt  }
0x73: {  	_ =	shalt  }
0x74: {  	_ =	shalt  }
0x75: {  	_ =	shalt  }
0x76: {  	_ =	shalt  }
0x77: {  	_ =	shalt  }
0x78: {  	_ =	shalt  }
0x79: {  	_ =	shalt  }
0x7a: {  	_ =	shalt  }
0x7b: {  	_ =	shalt  }
0x7c: {  	_ =	shalt  }
0x7d: {  	_ =	shalt  }
0x7e: {  	_ =	shalt  }
0x7f: {  	_ =	shalt  }
0x80: {  	_ =	shalt  }
0x81: {  	_ =	shalt  }
0x82: {  	_ =	shalt  }
0x83: {  	_ =	shalt  }
0x84: {  	_ =	shalt  }
0x85: {  	_ =	shalt  }
0x86: {  	_ =	shalt  }
0x87: {  	_ =	shalt  }
.Lfunc_end0:
.L_simem_size_0:
called_computation.2_lowered:
.L_overlay_start_0:
0x88: {  	s2 =	sld [smem:$0x3FD9]  }
0x89: {  	s3 =	sld [smem:$0x3FFE];
	_ =	sdelay $0x1  }
0x8a: {  	s1 =	srdreg.scid  }
0x8b: {  	s0 =	sand.u32 $0x1, s1  }
0x8c: {  	s14 =	sshll.u32 s0, $0xA;
	s2 =	sadd.s32 s3, s2  }
0x8d: {  	s2 =	sadd.s32 s2, s14  }
0x8e: {  	[smem:$0x3FC5] =	sst s2  }
0x8f: {  	_ = 	snop  }
0x90: {  	s2 =	sld [smem:$0x3FD0];
	_ =	sdelay $0x2  }
0x91: {  	s15 =	simm.s32 $0xB;
	s4 =	simm.s32 $0x10  }
0x92: {  	[smem:s4], [sflag:s15] =	dma.local [hbm:s2], $0x1  }
0x93: {  	_ =	swait.eq [sflag:s15], $0x1  }
0x94: {  	[sflag:s15] =	ssyncset.done $0x0  }
0x95: {  	[sflag:s15] =	ssyncadd.s32 $0xFFFFFFFF  }
0x96: {  	s16 =	sld [smem:$0x10];
	(tm) =	ssettm $0x1  }
0x97: {  	s17 =	sld [smem:$0x3FFB];
	_ =	sdelay $0x3  }
0x98: {  	_ =	strace s17  }
0x99: {  	s3 =	sld [smem:$0x3FFC];
	_ =	sdelay $0x3  }
0x9a: {  	_ =	strace s3  }
0x9b: {  	s3 =	sld [smem:$0x3FFD];
	_ =	sdelay $0x3  }
0x9c: {  	_ =	strace s3  }
0x9d: {  	_ =	strace $0x8FFFFFFF  }
0x9e: {  	s18 =	sld [smem:$0x3FDB];
	_ =	sdelay $0x1  }
0x9f: {  	s19 =	simm.s32 $_scs_section_size  }
0xa0: {  	s5 =	simm.s32 $_size__tile_overlayer_lowered;
	s6 =	simm.s32 $_tile_overlayer_lowered  }
0xa1: {  	s22 =	simm.s32 $0x1BFF;
	s21 =	sshll.u32 s6, $0x1;
	s3 =	sadd.s32 s19, s18  }
0xa2: {  	s7 =	simm.s32 $0x0;
	s20 =	sshll.u32 s5, $0x1;
	s5 =	sadd.s32 s21, s3  }
0xa3: {  	[timem:s7], [sflag:s22] =	dma.local [hbm:s5], s20  }
0xa4: {  	_ =	swait.ge [sflag:s22], s20  }
0xa5: {  	s4 =	ssub.s32 $0x0, s20;
	[sflag:s22] =	ssyncset.done $0x0  }
0xa6: {  	[sflag:s22] =	ssyncadd.s32 s4;
	_ =	sdelay $0x1  }
0xa7: {  	s23 =	simm.s32 $0x1B8B  }
0xa8: {  	_ =	swait.ge [sflag:s23], $0x1  }
0xa9: {  	[sflag:s23] =	ssyncset.done $0x0  }
0xaa: {  	s25 =	simm.s32 $0x1B8E;
	s24 =	sld [smem:$0x3FFE];
	[sflag:s23] =	ssyncadd.s32 $0xFFFFFFFF  }
0xab: {  	s26 =	simm.s32 $execute0_lowered;
	[smem:$0x3FD2] =	sst s25  }
0xac: {  	s5 =	sshll.u32 s26, $0x1;
	_ =	strace $0x80000046;
	[dreg:$0x1] =	wrdreg $0xFFFFFFFF  }
0xad: {  	s28 =	simm.s32 $_size_execute0_lowered;
	s3 =	sadd.s32 s3, s5;
	[dreg:$0x0] =	wrdreg $0x0  }
0xae: {  	s5 =	sshll.u32 s28, $0x1;
	[dreg:$0x2] =	wrdreg s3  }
0xaf: {  	[dreg:$0x3] =	wrdreg s5  }
0xb0: {  	[dreg:$0x4] =	wrdreg $0xC0  }
0xb1: {  	_ =	task [dreg:s7], $0x5FFFF  }
0xb2: {  	[dreg:$0x1] =	wrdreg $0xFFFFFFFF  }
0xb3: {  	[dreg:$0x0] =	wrdreg $0x60  }
0xb4: {  	[dreg:$0x2] =	wrdreg s16  }
0xb5: {  	[dreg:$0x3] =	wrdreg s24  }
0xb6: {  	[dreg:$0x4] =	wrdreg $0x9  }
0xb7: {  	_ =	task.clear_ibuf [dreg:s7], $0x5FFFF;
	_ =	strace $0x90000046  }
0xb8: {  	s29 =	simm.s32 $0x9;
	_ =	strace $0x80000048  }
0xb9: {  	_ =	swait.ge [sflag:s29], $0x1  }
0xba: {  	[sflag:s29] =	ssyncadd.s32 $0xFFFFFFFF  }
0xbb: {  	_ =	strace $0x90000048  }
0xbc: {  	_ =	sfence  }
0xbd: {  	s30 =	sld [smem:$0x0];
	_ =	sdelay $0x2  }
0xbe: {  	s31 =	sshll.u32 s1, $0xD;
	s1 =	sshrl.u32 s1, $0x2  }
0xbf: {  	s3 =	sand.u32 $0x4000, s31;
	s1 =	sadd.s32 s1, s30  }
0xc0: {  	s0 =	sor.u32 s3, s0;
	s1 =	sshll.u32 s1, $0x11  }
0xc1: {  	s0 =	sor.u32 s1, s0  }
0xc2: {  	s0 =	sadd.s32 $0x8F2B, s0  }
0xc3: {  	[sflag:s0] =	ssyncadd.remote.s32 $0x1  }
0xc4: {  	_ =	sfence.sel $0xFFFF  }
0xc5: {  	[dreg:$0x0] =	wrdreg $0xFFFFFFFF;
	(pc) =	sbr.abs _section_cstart, $3  }
0xc6: {  	[dreg:$0x1] =	wrdreg $0xFFFFFFFF  }
0xc7: {  	_ =	task.clear_ibuf [dreg:s7], $0x2FFFF;
	_ =	strace $0x9FFFFFFF  }
0xc8: {  	(tm) =	ssettm $0x7FFFFFFF  }
0xc9: {  	_ =	shalt  }
tec
execute0_lowered:
.L_overlay_start_1:
0x0: {  	(tag) =	ssettag $0x1  }
0x1: {  	s1 =	srdreg.scid;
	s4 =	rddreg [dreg:$0x0]  }
0x2: {  	s0 =	stileid.u32;
	s6 =	rddreg [dreg:$0x1];
	s2 =	simm.s32 $0x0  }
0x3: {  	s14 =	simm.s32 $0x1;
	s15 =	simm.s32 $0xE400;
	s16 =	simm.s32 $0x12400  }
0x4: {  	s17 =	simm.s32 $0x2;
	s18 =	simm.s32 $0x3;
	s19 =	simm.s32 $0x4  }
0x5: {  	s20 =	simm.s32 $0x6300;
	s21 =	simm.s32 $0x6380;
	s11 =	smul.u32 $0x640000, s0  }
0x6: {  	s22 =	simm.s32 $0x0;
	s5 =	sand.u32 $0x1, s1;
	s13 =	smul.u32 $0x190, s0  }
0x7: {  	s24 =	sshll.u32 s0, $0x1;
	s1 =	rddreg [dreg:$0x2];
	s26 =	smul.u32 $0xC8, s5  }
0x8: {  	[smem:$0x7FF] =	sst s2;
	s3 =	sor.u32 s5, s24;
	s29 =	smul.u32 $0x320000, s5  }
0x9: {  	s12 =	sadd.s32 $0x1000, s6;
	s10 =	ssub.s32 $0x2, s5;
	s7 =	smul.u32 $0xC80, s3  }
0xa: {  	_ =	strace $0x80000047;
	s8 =	smul.u32 $0x320000, s3;
	s25 =	sshrl.u32 s10, $0x1  }
0xb: {  	s9 =	smul.u32 $0x64000, s3;
	s3 =	sadd.s32 $0x1E85800, s6;
	s6 =	ssub.s32 s10, s25  }
0xc: {  	s30 =	sadd.s32 s26, s13;
	s13 =	simm.s32 $0xA400;
	s8 =	sshrl.u32 s8, $0x3  }
0xd: {  	s4 =	sadd.s32 s4, s7;
	s5 =	smax.u32 s6, $0x1;
	s9 =	sadd.s32 s12, s9  }
0xe: {  	s10 =	sshll.u32 s30, $0xB;
	s28 =	sadd.s32 s12, s8;
	s8 =	sadd.s32 s29, s11  }
0xf: {  	s7 =	sadd.s32 $0x63000, s9;
	s31 =	sadd.s32 s10, s12;
	s10 =	simm.s32 $0x5  }
0x10: {  	s11 =	simm.s32 $0x80;
	s6 =	sadd.s32 $0x62000, s28;
	s8 =	sshrl.u32 s8, $0x3  }
0x11: {  	s9 =	sadd.s32 $0x1000, s31;
	s8 =	sadd.s32 s8, s12;
	s12 =	simm.s32 $0x6400  }
.LBB2_1:
0x12: {  	[tilespmem:s2], [sflag:$0x5] =	stream.linear.gather [hbm4b:s4+s2], $0x6400, $0x38;
	[tilespmem:$0x16400] =	vst v63  }
0x13: {  	_ =	swait.ge [sflag:s10], $0x6400  }
0x14: {  	[sflag:s10] =	ssyncset.done $0x0  }
0x15: {  	[sflag:s10] =	ssyncadd.s32 $0xFFFF9C00  }
0x16: {  	[tilespmem:s12], [sflag:$0x1] =	stream.indirect.gather [hbm4b:s3+s11], $0x80, s2, s11, $0xb8;
	[tilespmem:$0x16400] =	vst v63  }
0x17: {  	_ = 	snop  }
0x18: {  	[tilespmem:s13], [sflag:$0x1] =	stream.indirect.gather [hbm4b:s3+s11], $0x80, s11, s11, $0xb8;
	[tilespmem:$0x16400] =	vst v63  }
0x19: {  	_ =	swait.ge [sflag:s14], $0x4000  }
0x1a: {  	[sflag:s14] =	ssyncset.done $0x0  }
0x1b: {  	[sflag:s14] =	ssyncadd.s32 $0xFFFFC000  }
0x1c: {  	_ =	swait.ge [sflag:s14], $0x4000  }
0x1d: {  	[sflag:s14] =	ssyncset.done $0x0  }
0x1e: {  	[sflag:s14] =	ssyncadd.s32 $0xFFFFC000  }
0x1f: {  	[hbm4b:s8+s2] =	stream.linear.scatter [tilespmem:s12], [sflag:$0x3], $0x8000, $0x38;
	[tilespmem:$0x16400] =	vst v63  }
0x20: {  	s23 =	simm.s32 $0x100  }
0x21: {  	[tilespmem:s15], [sflag:$0x2] =	stream.indirect.gather [hbm4b:s3+s11], $0x80, s23, s11, $0xb8;
	[tilespmem:$0x16400] =	vst v63  }
0x22: {  	s29 =	simm.s32 $0x180  }
0x23: {  	[tilespmem:s16], [sflag:$0x2] =	stream.indirect.gather [hbm4b:s3+s11], $0x80, s29, s11, $0xb8;
	[tilespmem:$0x16400] =	vst v63  }
0x24: {  	_ =	swait.ge [sflag:s17], $0x4000  }
0x25: {  	[sflag:s17] =	ssyncset.done $0x0  }
0x26: {  	[sflag:s17] =	ssyncadd.s32 $0xFFFFC000  }
0x27: {  	_ =	swait.ge [sflag:s17], $0x4000  }
0x28: {  	[sflag:s17] =	ssyncset.done $0x0  }
0x29: {  	[sflag:s17] =	ssyncadd.s32 $0xFFFFC000  }
0x2a: {  	[hbm4b:s9+s2] =	stream.linear.scatter [tilespmem:s15], [sflag:$0x4], $0x8000, $0x38;
	[tilespmem:$0x16400] =	vst v63  }
0x2b: {  	_ =	swait.ge [sflag:s18], $0x8000  }
0x2c: {  	[sflag:s18] =	ssyncset.done $0x0  }
0x2d: {  	s30 =	simm.s32 $0x200;
	[sflag:s18] =	ssyncadd.s32 $0xFFFF8000  }
0x2e: {  	[tilespmem:s12], [sflag:$0x1] =	stream.indirect.gather [hbm4b:s3+s11], $0x80, s30, s11, $0xb8;
	[tilespmem:$0x16400] =	vst v63  }
0x2f: {  	s31 =	simm.s32 $0x280  }
0x30: {  	[tilespmem:s13], [sflag:$0x1] =	stream.indirect.gather [hbm4b:s3+s11], $0x80, s31, s11, $0xb8;
	[tilespmem:$0x16400] =	vst v63  }
0x31: {  	s24 =	smov.u32 s8;
	_ =	swait.ge [sflag:s19], $0x8000  }
0x32: {  	s25 =	smov.u32 s9;
	s23 =	simm.s32 $0x800;
	[sflag:s19] =	ssyncset.done $0x0  }
.LBB2_2:
0x33: {  	[sflag:s19] =	ssyncadd.s32 $0xFFFF8000;
	s24 =	sadd.s32 $0x2000, s24;
	s25 =	sadd.s32 $0x2000, s25  }
0x34: {  	p0 =	sne.s32 s23, $0x18000;
	s26 =	smov.u32 s23;
	s23 =	sadd.s32 $0x800, s23  }
0x35: {  	_ =	swait.ge [sflag:s14], $0x4000  }
0x36: {  	[sflag:s14] =	ssyncset.done $0x0  }
0x37: {  	[sflag:s14] =	ssyncadd.s32 $0xFFFFC000  }
0x38: {  	_ =	swait.ge [sflag:s14], $0x4000  }
0x39: {  	[sflag:s14] =	ssyncset.done $0x0  }
0x3a: {  	s26 =	sshra.s32 s26, $0x2;
	[sflag:s14] =	ssyncadd.s32 $0xFFFFC000  }
0x3b: {  	[hbm4b:s24+s2] =	stream.linear.scatter [tilespmem:s12], [sflag:$0x3], $0x8000, $0x38;
	[tilespmem:$0x16400] =	vst v63  }
0x3c: {  	s28 =	sadd.s32 $0x100, s26  }
0x3d: {  	[tilespmem:s15], [sflag:$0x2] =	stream.indirect.gather [hbm4b:s3+s11], $0x80, s28, s11, $0xb8;
	[tilespmem:$0x16400] =	vst v63  }
0x3e: {  	s28 =	sadd.s32 $0x180, s26  }
0x3f: {  	[tilespmem:s16], [sflag:$0x2] =	stream.indirect.gather [hbm4b:s3+s11], $0x80, s28, s11, $0xb8;
	[tilespmem:$0x16400] =	vst v63  }
0x40: {  	_ =	swait.ge [sflag:s17], $0x4000  }
0x41: {  	[sflag:s17] =	ssyncset.done $0x0  }
0x42: {  	[sflag:s17] =	ssyncadd.s32 $0xFFFFC000  }
0x43: {  	_ =	swait.ge [sflag:s17], $0x4000  }
0x44: {  	[sflag:s17] =	ssyncset.done $0x0  }
0x45: {  	[sflag:s17] =	ssyncadd.s32 $0xFFFFC000  }
0x46: {  	[hbm4b:s25+s2] =	stream.linear.scatter [tilespmem:s15], [sflag:$0x4], $0x8000, $0x38;
	[tilespmem:$0x16400] =	vst v63  }
0x47: {  	_ =	swait.ge [sflag:s18], $0x8000  }
0x48: {  	[sflag:s18] =	ssyncset.done $0x0  }
0x49: {  	s28 =	sadd.s32 $0x200, s26;
	[sflag:s18] =	ssyncadd.s32 $0xFFFF8000  }
0x4a: {  	[tilespmem:s12], [sflag:$0x1] =	stream.indirect.gather [hbm4b:s3+s11], $0x80, s28, s11, $0xb8;
	[tilespmem:$0x16400] =	vst v63  }
.Ltmp0:
0x4b: {  	_ = 	snop;
	(pc) =	sbr.rel @p0 .LBB2_2-.Ltmp0, $4  }
0x4c: {  	s26 =	sadd.s32 $0x280, s26  }
0x4d: {  	[tilespmem:s13], [sflag:$0x1] =	stream.indirect.gather [hbm4b:s3+s11], $0x80, s26, s11, $0xb8;
	[tilespmem:$0x16400] =	vst v63  }
0x4e: {  	_ =	swait.ge [sflag:s19], $0x8000  }
0x4f: {  	[sflag:s19] =	ssyncset.done $0x0  }
0x50: {  	[sflag:s19] =	ssyncadd.s32 $0xFFFF8000  }
0x51: {  	_ =	swait.ge [sflag:s14], $0x4000  }
0x52: {  	[sflag:s14] =	ssyncset.done $0x0  }
0x53: {  	[sflag:s14] =	ssyncadd.s32 $0xFFFFC000  }
0x54: {  	_ =	swait.ge [sflag:s14], $0x4000  }
0x55: {  	[sflag:s14] =	ssyncset.done $0x0  }
0x56: {  	[sflag:s14] =	ssyncadd.s32 $0xFFFFC000  }
0x57: {  	[hbm4b:s6+s2] =	stream.linear.scatter [tilespmem:s12], [sflag:$0x3], $0x8000, $0x38;
	[tilespmem:$0x16400] =	vst v63  }
0x58: {  	_ = 	snop  }
0x59: {  	[tilespmem:s15], [sflag:$0x2] =	stream.indirect.gather [hbm4b:s3+s11], $0x80, s20, s11, $0xb8;
	[tilespmem:$0x16400] =	vst v63  }
0x5a: {  	_ = 	snop  }
0x5b: {  	[tilespmem:s16], [sflag:$0x2] =	stream.indirect.gather [hbm4b:s3+s11], $0x80, s21, s11, $0xb8;
	[tilespmem:$0x16400] =	vst v63  }
0x5c: {  	_ =	swait.ge [sflag:s17], $0x4000  }
0x5d: {  	[sflag:s17] =	ssyncset.done $0x0  }
0x5e: {  	[sflag:s17] =	ssyncadd.s32 $0xFFFFC000  }
0x5f: {  	_ =	swait.ge [sflag:s17], $0x4000  }
0x60: {  	[sflag:s17] =	ssyncset.done $0x0  }
0x61: {  	[sflag:s17] =	ssyncadd.s32 $0xFFFFC000  }
0x62: {  	[hbm4b:s7+s2] =	stream.linear.scatter [tilespmem:s15], [sflag:$0x4], $0x8000, $0x38;
	[tilespmem:$0x16400] =	vst v63  }
0x63: {  	_ =	swait.ge [sflag:s18], $0x8000  }
0x64: {  	[sflag:s18] =	ssyncset.done $0x0  }
0x65: {  	[sflag:s18] =	ssyncadd.s32 $0xFFFF8000  }
0x66: {  	[tilespmem:s12], [sflag:$0x1] =	stream.indirect.gather [hbm4b:s3+s11], $0x80, s20, s11, $0xb8;
	[tilespmem:$0x16400] =	vst v63  }
0x67: {  	_ = 	snop  }
0x68: {  	[tilespmem:s13], [sflag:$0x1] =	stream.indirect.gather [hbm4b:s3+s11], $0x80, s21, s11, $0xb8;
	[tilespmem:$0x16400] =	vst v63  }
0x69: {  	_ =	swait.ge [sflag:s19], $0x8000  }
0x6a: {  	[sflag:s19] =	ssyncset.done $0x0  }
0x6b: {  	s22 =	sadd.s32 $0x1, s22;
	[sflag:s19] =	ssyncadd.s32 $0xFFFF8000  }
0x6c: {  	p0 =	sne.s32 s22, s5;
	_ =	swait.ge [sflag:s14], $0x4000  }
.Ltmp1:
0x6d: {  	[sflag:s14] =	ssyncset.done $0x0;
	(pc) =	sbr.rel @p0 .LBB2_1-.Ltmp1, $4  }
0x6e: {  	[sflag:s14] =	ssyncadd.s32 $0xFFFFC000  }
0x6f: {  	_ =	swait.ge [sflag:s14], $0x4000  }
0x70: {  	[sflag:s14] =	ssyncset.done $0x0  }
0x71: {  	[sflag:s14] =	ssyncadd.s32 $0xFFFFC000  }
0x72: {  	_ =	sfence.sel $0x180000  }
0x73: {  	[bflag:$0x0] =	sbarrier.arrive $0xFFFF  }
0x74: {  	p0 =	sne.s32 s0, $0x0;
	_ =	strace $0x90000047  }
0x75: {  	s0 =	sadd.s32 @!p0 $0x100000, s1;
	[bflag:$0x2] =	sbarrier.arrive $0xFFFF  }
0x76: {  	[sflag:s0] =	ssyncadd.tile.s32 @!p0 $0x1;
	_ =	shalt  }
.Lfunc_end2:
_tile_overlayer_lowered:
.L_overlay_start_2:
0x77: {  	(tag) =	ssettag $0x2  }
0x78: {  	s0 =	rddreg [dreg:$0x0];
	s2 =	stileid.u32  }
0x79: {  	s1 =	rddreg [dreg:$0x1];
	p0 =	sne.s32 s2, $0x0  }
0x7a: {  	s3 =	rddreg [dreg:$0x2];
	[bflag:$0x3] =	sbarrier.arrive $0xFFFF;
	s2 =	simm.s32 @!p0 $0x1C05  }
0x7b: {  	[timem:s3], [sflag:s2] =	dma.local @!p0 [hbm:s0], s1  }
0x7c: {  	s0 =	simm.s32 @!p0 $0x5  }
0x7d: {  	_ =	swait.ge @!p0 [sflag:s0], s1  }
0x7e: {  	s1 =	ssub.s32 @!p0 $0x0, s1;
	[sflag:s0] =	ssyncset.done @!p0 $0x0  }
0x7f: {  	[sflag:s0] =	ssyncadd.s32 @!p0 s1  }
0x80: {  	[bflag:$0x3] =	sbarrier.arrive $0xFFFF  }
0x81: {  	_ =	shalt  }

// kernel: sparse-core-data-format-call.1.cloned.1.call-start
scs
called_computation.1_lowered:
.L_overlay_start_0:
0x0: {  	s2 =	sld [smem:$0x3FD9]  }
0x1: {  	s3 =	sld [smem:$0x3FFE];
	_ =	sdelay $0x1  }
0x2: {  	s1 =	srdreg.scid  }
0x3: {  	s0 =	sand.u32 $0x1, s1  }
0x4: {  	s15 =	sshll.u32 s0, $0xA;
	s2 =	sadd.s32 s3, s2  }
0x5: {  	s2 =	sadd.s32 s2, s15  }
0x6: {  	[smem:$0x3FC5] =	sst s2  }
0x7: {  	_ = 	snop  }
0x8: {  	s2 =	sld [smem:$0x3FD0];
	_ =	sdelay $0x2  }
0x9: {  	s16 =	simm.s32 $0xB;
	s4 =	simm.s32 $0x10  }
0xa: {  	[smem:s4], [sflag:s16] =	dma.local [hbm:s2], $0x1  }
0xb: {  	_ =	swait.eq [sflag:s16], $0x1  }
0xc: {  	[sflag:s16] =	ssyncset.done $0x0  }
0xd: {  	[sflag:s16] =	ssyncadd.s32 $0xFFFFFFFF  }
0xe: {  	s17 =	sld [smem:$0x10];
	(tm) =	ssettm $0x1  }
0xf: {  	s18 =	sld [smem:$0x3FFB];
	_ =	sdelay $0x3  }
0x10: {  	_ =	strace s18  }
0x11: {  	s3 =	sld [smem:$0x3FFC];
	_ =	sdelay $0x3  }
0x12: {  	_ =	strace s3  }
0x13: {  	s3 =	sld [smem:$0x3FFD];
	_ =	sdelay $0x3  }
0x14: {  	_ =	strace s3  }
0x15: {  	_ =	strace $0x8FFFFFFF  }
0x16: {  	s19 =	sld [smem:$0x3FDB];
	_ =	sdelay $0x1  }
0x17: {  	s20 =	simm.s32 $_scs_section_size  }
0x18: {  	s5 =	simm.s32 $_size__tile_overlayer_lowered;
	s6 =	simm.s32 $_tile_overlayer_lowered  }
0x19: {  	s23 =	simm.s32 $0x1BFF;
	s22 =	sshll.u32 s6, $0x1;
	s3 =	sadd.s32 s20, s19  }
0x1a: {  	s7 =	simm.s32 $0x0;
	s21 =	sshll.u32 s5, $0x1;
	s5 =	sadd.s32 s22, s3  }
0x1b: {  	[timem:s7], [sflag:s23] =	dma.local [hbm:s5], s21  }
0x1c: {  	_ =	swait.ge [sflag:s23], s21  }
0x1d: {  	s4 =	ssub.s32 $0x0, s21;
	[sflag:s23] =	ssyncset.done $0x0  }
0x1e: {  	[sflag:s23] =	ssyncadd.s32 s4;
	_ =	sdelay $0x1  }
0x1f: {  	s24 =	simm.s32 $0x1B8B  }
0x20: {  	_ =	swait.ge [sflag:s24], $0x1  }
0x21: {  	[sflag:s24] =	ssyncset.done $0x0  }
0x22: {  	s26 =	simm.s32 $0x1B8E;
	s25 =	sld [smem:$0x3FFE];
	[sflag:s24] =	ssyncadd.s32 $0xFFFFFFFF  }
0x23: {  	s27 =	simm.s32 $execute0_lowered;
	[smem:$0x3FD2] =	sst s26  }
0x24: {  	s5 =	sshll.u32 s27, $0x1;
	_ =	strace $0x80000049;
	[dreg:$0x1] =	wrdreg $0xFFFFFFFF  }
0x25: {  	s28 =	simm.s32 $_size_execute0_lowered;
	s3 =	sadd.s32 s3, s5;
	[dreg:$0x0] =	wrdreg $0x0  }
0x26: {  	s5 =	sshll.u32 s28, $0x1;
	[dreg:$0x2] =	wrdreg s3  }
0x27: {  	[dreg:$0x3] =	wrdreg s5  }
0x28: {  	[dreg:$0x4] =	wrdreg $0xC0  }
0x29: {  	_ =	task [dreg:s7], $0x5FFFF  }
0x2a: {  	[dreg:$0x1] =	wrdreg $0xFFFFFFFF  }
0x2b: {  	[dreg:$0x0] =	wrdreg $0x60  }
0x2c: {  	[dreg:$0x2] =	wrdreg s25  }
0x2d: {  	[dreg:$0x3] =	wrdreg s17  }
0x2e: {  	[dreg:$0x4] =	wrdreg $0xA  }
0x2f: {  	_ =	task.clear_ibuf [dreg:s7], $0x5FFFF;
	_ =	strace $0x90000049  }
0x30: {  	s29 =	simm.s32 $0xA;
	_ =	strace $0x8000004B  }
0x31: {  	_ =	swait.ge [sflag:s29], $0x1  }
0x32: {  	[sflag:s29] =	ssyncadd.s32 $0xFFFFFFFF  }
0x33: {  	_ =	strace $0x9000004B  }
0x34: {  	_ =	sfence  }
0x35: {  	s30 =	sld [smem:$0x0];
	_ =	sdelay $0x2  }
0x36: {  	s31 =	sshll.u32 s1, $0xD;
	s1 =	sshrl.u32 s1, $0x2  }
0x37: {  	s3 =	sand.u32 $0x4000, s31;
	s1 =	sadd.s32 s1, s30  }
0x38: {  	s0 =	sor.u32 s3, s0;
	s1 =	sshll.u32 s1, $0x11  }
0x39: {  	s0 =	sor.u32 s1, s0  }
0x3a: {  	s0 =	sadd.s32 $0x8F2B, s0  }
0x3b: {  	[sflag:s0] =	ssyncadd.remote.s32 $0x1  }
0x3c: {  	_ =	sfence.sel $0xFFFF  }
0x3d: {  	[dreg:$0x0] =	wrdreg $0xFFFFFFFF;
	(pc) =	sbr.abs _section_cstart, $3  }
0x3e: {  	[dreg:$0x1] =	wrdreg $0xFFFFFFFF  }
0x3f: {  	_ =	task.clear_ibuf [dreg:s7], $0x2FFFF;
	_ =	strace $0x9FFFFFFF  }
0x40: {  	(tm) =	ssettm $0x7FFFFFFF  }
0x41: {  	_ =	shalt  }
tec
execute0_lowered:
.L_overlay_start_1:
0x0: {  	(tag) =	ssettag $0x1  }
0x1: {  	s0 =	srdreg.scid  }
0x2: {  	s1 =	sshll.u32 s0, $0x4  }
0x3: {  	s0 =	stileid.u32;
	s1 =	sand.u32 $0x10, s1  }
0x4: {  	s1 =	sor.u32 s0, s1  }
0x5: {  	s6 =	rddreg [dreg:$0x0];
	s4 =	simm.s32 $0x1;
	s2 =	sshll.u32 s1, $0x7  }
0x6: {  	s7 =	simm.s32 $0x2;
	s12 =	simm.s32 $0x0;
	s1 =	ssub.s32 $0x1000, s2  }
0x7: {  	s8 =	simm.s32 $0x8000;
	s13 =	simm.s32 $0x0;
	s3 =	sand.u32 $0xF80, s1  }
0x8: {  	s9 =	simm.s32 $0x0;
	s5 =	sshrl.u32 s1, $0xC;
	p0 =	sne.s32 s3, $0x0  }
.Ltmp0:
0x9: {  	s1 =	rddreg [dreg:$0x2];
	s4 =	simm.s32 @!p0 $0x0;
	(pc) =	sbr.rel .LBB1_1-.Ltmp0, $4  }
0xa: {  	s11 =	simm.s32 $0x0;
	s3 =	rddreg [dreg:$0x1];
	s5 =	sadd.s32 s4, s5  }
0xb: {  	_ =	strace $0x8000004A;
	s4 =	simm.s32 $0x1;
	s5 =	smul.u32 $0xC8, s5  }
0xc: {  	s6 =	sadd.s32 $0xC81000, s6;
	s10 =	smov.u32 s2;
	[sflag:s4] =	ssyncpa.u1 $0x0  }
0xd: {  	p0 =	por $0x0, $0x0;
	[sflag:s7] =	ssyncpa.u1 $0x0;
	s7 =	sor.u32 $0x1, s5  }
.LBB1_4:
0xe: {  	s16 =	sshll.u32 s13, $0x3;
	s17 =	sand.u32 $0x78, s13  }
0xf: {  	s30 =	sand.u32 $0x7E00, s13;
	s12 =	sshll.u32 s12, $0xF;
	s16 =	sand.u32 $0xC00, s16  }
0x10: {  	[tilespmem:s15+$0x810 ss:$0x81] =	vst.msk $0xffff, v2;
	s31 =	sand.u32 $0x7, s13;
	s16 =	sor.u32 s17, s16;
	s17 =	sadd.s32 s3, s30  }
0x11: {  	[tilespmem:s15+$0x1020 ss:$0x81] =	vst.msk $0xffff, v0;
	s13 =	sshll.u32 s31, $0x12;
	s12 =	sadd.s32 s12, s17;
	s16 =	sshrl.u32 s16, $0x3  }
0x12: {  	[tilespmem:s15+$0x0 ss:$0x81] =	vst.msk $0xffff, v1;
	s13 =	sor.u32 $0x400, s13;
	s12 =	sadd.s32 s16, s12  }
0x13: {  	[hbm4b:s12+s13] =	stream.strided.scatter [tilespmem:s14], [sflag:$0x2], $0x2000, s8, s13, $0x20;
	[tilespmem:$0x8080] =	vst v63  }
.LBB1_5:
0x14: {  	s14 =	sadd.s32 $0x1, s9  }
0x15: {  	s12 =	sadd.s32 $0x1000, s10;
	s16 =	smov.u32 s10;
	p2 =	sgt.s32 s14, $0xC7  }
0x16: {  	s16 =	smov.u32 @p2 s12  }
0x17: {  	s14 =	simm.s32 @p2 $0x0;
	p2 =	sgt.s32 s16, $0xFFF  }
0x18: {  	s16 =	smov.u32 @p2 s2;
	p2 =	sne.s32 s11, s7  }
.Ltmp1:
0x19: {  	p1 =	slt.u32 s11, $0x2;
	(pc) =	sbr.rel @!p2 .LBB1_6-.Ltmp1, $4  }
0x1a: {  	s15 =	simm.s32 @!p1 $0x2  }
0x1b: {  	s13 =	smov.u32 s10;
	p0 =	por !p0, !p0;
	_ =	swait.ge @!p1 [sflag:s15], $0x2000  }
0x1c: {  	s12 =	smov.u32 s9;
	[sflag:s15] =	ssyncset.done @!p1 $0x0;
	s9 =	smov.u32 s14  }
0x1d: {  	s11 =	sadd.s32 $0x1, s11;
	[sflag:s15] =	ssyncadd.s32 @!p1 $0xFFFFE000;
	s10 =	smov.u32 s16  }
.LBB1_1:
0x1e: {  	p1 =	sge.u32 s11, s5  }
0x1f: {  	s14 =	sand.u32 @!p1 $0x1FFFFFF, s9  }
0x20: {  	s15 =	smulhi.u32 @!p1 $0x147AE15, s14;
	_ =	sdelay $0x1  }
0x21: {  	s15 =	smul.u32 @!p1 $0xC8, s15  }
0x22: {  	s16 =	sxor.u32 @!p1 $0xFFFFFFFF, s11;
	s17 =	smul.u32 @!p1 $0xC80, s10  }
0x23: {  	s31 =	sadd.s32 $0xFFFFFFFF, s11;
	s16 =	sshll.u32 @!p1 s16, $0xD;
	s14 =	ssub.s32 @!p1 s14, s15  }
0x24: {  	s15 =	sand.u32 @!p1 $0x2000, s16;
	s16 =	sadd.s32 @!p1 s6, s17;
	s14 =	sshll.u32 @!p1 s14, $0x4  }
0x25: {  	s17 =	simm.s32 @!p1 $0x6400;
	s14 =	sadd.s32 @!p1 s14, s16;
	s16 =	simm.s32 @!p1 $0x40  }
0x26: {  	[tilespmem:s15], [sflag:$0x1] =	stream.strided.gather @!p1 [hbm4b:s14+s16], $0x2000, s17, s16, $0x38;
	[tilespmem:$0x8080] =	vst v63  }
0x27: {  	p1 =	sge.u32 s31, s5  }
.Ltmp2:
0x28: {  	_ = 	snop;
	(pc) =	sbr.rel @p1 .LBB1_5-.Ltmp2, $1  }
0x29: {  	_ =	sdelay $0x3  }
0x2a: {  	s14 =	simm.s32 $0x1  }
0x2b: {  	_ =	swait.ge [sflag:s4], $0x2000;
	s14 =	simm.s32 @!p0 $0x0  }
0x2c: {  	[sflag:s4] =	ssyncset.done $0x0;
	s15 =	sshll.u32 s14, $0xD  }
0x2d: {  	[sflag:s4] =	ssyncadd.s32 $0xFFFFE000;
	s18 =	sor.u32 $0x20, s15  }
0x2e: {  	s14 =	smul.u32 $0x8100, s14;
	v3 =	vld [tilespmem:s18+$0x10]  }
0x2f: {  	s30 =	sand.u32 $0x1, s11;
	v2 =	vld [tilespmem:s18+$0xFFFFFFF0]  }
0x30: {  	s15 =	smul.u32 $0x8100, s30;
	s14 =	sshrl.u32 s14, $0x2;
	v0 =	vld [tilespmem:s18+$0x0]  }
0x31: {  	v1 =	vld [tilespmem:s18+$0xFFFFFFE0];
	s16 =	sor.u32 $0x4000, s14  }
0x32: {  	s31 =	sshrl.u32 s15, $0x2;
	s15 =	sadd.s32 $0x0, s16  }
0x33: {  	s17 =	simm.s32 $0x4;
	s18 =	sadd.s32 $0x40, s18;
	s14 =	sor.u32 $0x4000, s31;
	[tilespmem:s15+$0x1830 ss:$0x81] =	vst.msk $0xffff, v3  }
.LBB1_3:
0x34: {  	v3 =	vld [tilespmem:s18+$0x10];
	p1 =	sne.s32 s17, $0x1FC;
	[tilespmem:s15+$0x810 ss:$0x81] =	vst.msk $0xffff, v2;
	s19 =	smov.u32 s17;
	s17 =	sadd.s32 $0x4, s17  }
.Ltmp3:
0x35: {  	v2 =	vld [tilespmem:s18+$0xFFFFFFF0];
	[tilespmem:s15+$0x1020 ss:$0x81] =	vst.msk $0xffff, v0;
	(pc) =	sbr.rel @p1 .LBB1_3-.Ltmp3, $4  }
0x36: {  	v0 =	vld [tilespmem:s18+$0x0];
	[tilespmem:s15+$0x0 ss:$0x81] =	vst.msk $0xffff, v1  }
0x37: {  	s15 =	sshra.s32 s19, $0x2;
	v1 =	vld [tilespmem:s18+$0xFFFFFFE0]  }
0x38: {  	s15 =	sadd.s32 s15, s16  }
0x39: {  	s18 =	sadd.s32 $0x40, s18;
	[tilespmem:s15+$0x1830 ss:$0x81] =	vst.msk $0xffff, v3  }
.Ltmp4:
0x3a: {  	_ = 	snop;
	(pc) =	sbr.rel .LBB1_4-.Ltmp4, $1  }
0x3b: {  	_ =	sdelay $0x3  }
.LBB1_6:
0x3c: {  	_ =	sfence.sel $0x180000  }
0x3d: {  	s2 =	simm.s32 $0x1;
	[bflag:$0x0] =	sbarrier.arrive $0xFFFF  }
0x3e: {  	s31 =	simm.s32 $0x2;
	[sflag:s2] =	ssyncpa.u1 $0x1  }
0x3f: {  	[sflag:s31] =	ssyncpa.u1 $0x1  }
0x40: {  	p0 =	sne.s32 s0, $0x0;
	_ =	strace $0x9000004A  }
0x41: {  	s0 =	sadd.s32 @!p0 $0x100000, s1;
	[bflag:$0x2] =	sbarrier.arrive $0xFFFF  }
0x42: {  	[sflag:s0] =	ssyncadd.tile.s32 @!p0 $0x1;
	_ =	shalt  }
.Lfunc_end1:
_tile_overlayer_lowered:
.L_overlay_start_2:
0x43: {  	(tag) =	ssettag $0x2  }
0x44: {  	s0 =	rddreg [dreg:$0x0];
	s2 =	stileid.u32  }
0x45: {  	s1 =	rddreg [dreg:$0x1];
	p0 =	sne.s32 s2, $0x0  }
0x46: {  	s3 =	rddreg [dreg:$0x2];
	[bflag:$0x3] =	sbarrier.arrive $0xFFFF;
	s2 =	simm.s32 @!p0 $0x1C01  }
0x47: {  	[timem:s3], [sflag:s2] =	dma.local @!p0 [hbm:s0], s1  }
0x48: {  	s0 =	simm.s32 @!p0 $0x1  }
0x49: {  	_ =	swait.ge @!p0 [sflag:s0], s1  }
0x4a: {  	s1 =	ssub.s32 @!p0 $0x0, s1;
	[sflag:s0] =	ssyncset.done @!p0 $0x0  }
0x4b: {  	[sflag:s0] =	ssyncadd.s32 @!p0 s1  }
0x4c: {  	[bflag:$0x3] =	sbarrier.arrive $0xFFFF  }
0x4d: {  	_ =	shalt  }

// kernel: sparse-core-data-format-call.cloned.1.call-start
scs
called_computation_lowered:
.L_overlay_start_0:
0x0: {  	s2 =	sld [smem:$0x3FD9]  }
0x1: {  	s3 =	sld [smem:$0x3FFE];
	_ =	sdelay $0x1  }
0x2: {  	s1 =	srdreg.scid  }
0x3: {  	s0 =	sand.u32 $0x1, s1  }
0x4: {  	s16 =	sshll.u32 s0, $0xA;
	s2 =	sadd.s32 s3, s2  }
0x5: {  	s2 =	sadd.s32 s2, s16  }
0x6: {  	[smem:$0x3FC5] =	sst s2  }
0x7: {  	_ = 	snop  }
0x8: {  	s2 =	sld [smem:$0x3FD0];
	_ =	sdelay $0x2  }
0x9: {  	s17 =	simm.s32 $0xB;
	s4 =	simm.s32 $0x10  }
0xa: {  	[smem:s4], [sflag:s17] =	dma.local [hbm:s2], $0x1  }
0xb: {  	_ =	swait.eq [sflag:s17], $0x1  }
0xc: {  	[sflag:s17] =	ssyncset.done $0x0  }
0xd: {  	[sflag:s17] =	ssyncadd.s32 $0xFFFFFFFF  }
0xe: {  	s18 =	sld [smem:$0x11];
	(tm) =	ssettm $0x1  }
0xf: {  	s19 =	sld [smem:$0x3FFB];
	_ =	sdelay $0x3  }
0x10: {  	_ =	strace s19  }
0x11: {  	s2 =	sld [smem:$0x3FFC];
	_ =	sdelay $0x3  }
0x12: {  	_ =	strace s2  }
0x13: {  	s2 =	sld [smem:$0x3FFD];
	_ =	sdelay $0x3  }
0x14: {  	_ =	strace s2  }
0x15: {  	_ =	strace $0x8FFFFFFF  }
0x16: {  	s20 =	sld [smem:$0x3FDB];
	_ =	sdelay $0x1  }
0x17: {  	s21 =	simm.s32 $_scs_section_size  }
0x18: {  	s5 =	simm.s32 $_size__tile_overlayer_lowered;
	s6 =	simm.s32 $_tile_overlayer_lowered  }
0x19: {  	s7 =	simm.s32 $0x1BFF;
	s22 =	sshll.u32 s6, $0x1;
	s4 =	sadd.s32 s21, s20  }
0x1a: {  	s23 =	simm.s32 $0x0;
	s5 =	sshll.u32 s5, $0x1;
	s6 =	sadd.s32 s22, s4  }
0x1b: {  	[timem:s23], [sflag:s7] =	dma.local [hbm:s6], s5  }
0x1c: {  	_ =	swait.ge [sflag:s7], s5  }
0x1d: {  	s5 =	ssub.s32 $0x0, s5;
	[sflag:s7] =	ssyncset.done $0x0  }
0x1e: {  	[sflag:s7] =	ssyncadd.s32 s5;
	_ =	sdelay $0x1  }
0x1f: {  	s24 =	simm.s32 $0x1B8B  }
0x20: {  	_ =	swait.ge [sflag:s24], $0x1  }
0x21: {  	[sflag:s24] =	ssyncset.done $0x0  }
0x22: {  	[sflag:s24] =	ssyncadd.s32 $0xFFFFFFFF  }
0x23: {  	s5 =	sld [smem:$0x0]  }
0x24: {  	s6 =	sand.u32 $0xFFFFFFFE, s1  }
0x25: {  	p0 =	sne.s32 s1, s6  }
0x26: {  	s6 =	sshll.u32 @p0 s6, $0xE  }
0x27: {  	s6 =	sadd.s32 @p0 $0x11B8D, s6;
	s7 =	sshll.u32 @p0 s5, $0x11  }
0x28: {  	s6 =	sor.u32 @p0 s7, s6  }
0x29: {  	[sflag:s6] =	ssyncadd.remote.s32 @p0 $0x1;
	_ =	sdelay $0x1  }
0x2a: {  	s6 =	simm.s32 @p0 $0x1B8D  }
0x2b: {  	_ =	swait.eq @p0 [sflag:s6], $0x1  }
0x2c: {  	[sflag:s6] =	ssyncadd.s32 @p0 $0xFFFFFFFF  }
0x2d: {  	s7 =	sshll.u32 @!p0 s1, $0xE  }
0x2e: {  	s7 =	sor.u32 @!p0 $0x4000, s7;
	s6 =	simm.s32 @!p0 $0x1B8D  }
0x2f: {  	s5 =	sshll.u32 @!p0 s5, $0x11;
	s7 =	sadd.s32 @!p0 $0x11B8D, s7;
	_ =	swait.eq @!p0 [sflag:s6], $0x1  }
0x30: {  	s5 =	sor.u32 @!p0 s5, s7;
	[sflag:s6] =	ssyncadd.s32 @!p0 $0xFFFFFFFF  }
0x31: {  	s26 =	simm.s32 $0x1B8E;
	s25 =	sld [smem:$0x3FFE];
	[sflag:s5] =	ssyncadd.remote.s32 @!p0 $0x1  }
0x32: {  	s27 =	simm.s32 $execute0_lowered;
	[smem:$0x3FD2] =	sst s26  }
0x33: {  	s6 =	sshll.u32 s27, $0x1;
	_ =	strace $0x8000004C;
	[dreg:$0x1] =	wrdreg $0xFFFFFFFF  }
0x34: {  	s28 =	simm.s32 $_size_execute0_lowered;
	s4 =	sadd.s32 s4, s6;
	[dreg:$0x0] =	wrdreg $0x0  }
0x35: {  	s6 =	sshll.u32 s28, $0x1;
	[dreg:$0x2] =	wrdreg s4  }
0x36: {  	[dreg:$0x3] =	wrdreg s6  }
0x37: {  	[dreg:$0x4] =	wrdreg $0xC0  }
0x38: {  	_ =	task [dreg:s23], $0x5FFFF  }
0x39: {  	[dreg:$0x1] =	wrdreg $0xFFFFFFFF  }
0x3a: {  	[dreg:$0x0] =	wrdreg $0x60  }
0x3b: {  	[dreg:$0x2] =	wrdreg s25  }
0x3c: {  	[dreg:$0x3] =	wrdreg s18  }
0x3d: {  	[dreg:$0x4] =	wrdreg $0x9  }
0x3e: {  	_ =	task.clear_ibuf [dreg:s23], $0x5FFFF;
	_ =	strace $0x9000004C  }
0x3f: {  	s29 =	simm.s32 $0x9;
	_ =	strace $0x8000004E  }
0x40: {  	_ =	swait.ge [sflag:s29], $0x1  }
0x41: {  	[sflag:s29] =	ssyncadd.s32 $0xFFFFFFFF  }
0x42: {  	_ =	strace $0x9000004E  }
0x43: {  	_ =	sfence  }
0x44: {  	s30 =	sld [smem:$0x0];
	_ =	sdelay $0x2  }
0x45: {  	s31 =	sshll.u32 s1, $0xD;
	s1 =	sshrl.u32 s1, $0x2  }
0x46: {  	s4 =	sand.u32 $0x4000, s31;
	s1 =	sadd.s32 s1, s30  }
0x47: {  	s0 =	sor.u32 s4, s0;
	s1 =	sshll.u32 s1, $0x11  }
0x48: {  	s0 =	sor.u32 s1, s0  }
0x49: {  	s0 =	sadd.s32 $0x8F2B, s0  }
0x4a: {  	[sflag:s0] =	ssyncadd.remote.s32 $0x1  }
0x4b: {  	_ =	sfence.sel $0xFFFF  }
0x4c: {  	[dreg:$0x0] =	wrdreg $0xFFFFFFFF;
	(pc) =	sbr.abs _section_cstart, $3  }
0x4d: {  	[dreg:$0x1] =	wrdreg $0xFFFFFFFF  }
0x4e: {  	_ =	task.clear_ibuf [dreg:s23], $0x2FFFF;
	_ =	strace $0x9FFFFFFF  }
0x4f: {  	(tm) =	ssettm $0x7FFFFFFF  }
tec
execute0_lowered:
.L_overlay_start_1:
0x0: {  	(tag) =	ssettag $0x1  }
0x1: {  	s0 =	srdreg.scid  }
0x2: {  	s1 =	sshll.u32 s0, $0x4  }
0x3: {  	s0 =	stileid.u32;
	s1 =	sand.u32 $0x10, s1  }
0x4: {  	s1 =	sor.u32 s0, s1  }
0x5: {  	s6 =	rddreg [dreg:$0x0];
	s4 =	simm.s32 $0x1;
	s2 =	sshll.u32 s1, $0x7  }
0x6: {  	s7 =	simm.s32 $0x2;
	s12 =	simm.s32 $0x0;
	s1 =	ssub.s32 $0x1000, s2  }
0x7: {  	s8 =	simm.s32 $0x8000;
	s13 =	simm.s32 $0x0;
	s3 =	sand.u32 $0xF80, s1  }
0x8: {  	s9 =	simm.s32 $0x0;
	s5 =	sshrl.u32 s1, $0xC;
	p0 =	sne.s32 s3, $0x0  }
.Ltmp0:
0x9: {  	s1 =	rddreg [dreg:$0x2];
	s4 =	simm.s32 @!p0 $0x0;
	(pc) =	sbr.rel .LBB1_1-.Ltmp0, $4  }
0xa: {  	s11 =	simm.s32 $0x0;
	s3 =	rddreg [dreg:$0x1];
	s5 =	sadd.s32 s4, s5  }
0xb: {  	_ =	strace $0x8000004D;
	s4 =	simm.s32 $0x1;
	s5 =	smul.u32 $0xC8, s5  }
0xc: {  	s6 =	sadd.s32 $0x1901000, s6;
	s10 =	smov.u32 s2;
	[sflag:s4] =	ssyncpa.u1 $0x0  }
0xd: {  	p0 =	por $0x0, $0x0;
	[sflag:s7] =	ssyncpa.u1 $0x0;
	s7 =	sor.u32 $0x1, s5  }
.LBB1_4:
0xe: {  	s16 =	sshll.u32 s13, $0x3;
	s17 =	sand.u32 $0x78, s13  }
0xf: {  	s30 =	sand.u32 $0x7E00, s13;
	s12 =	sshll.u32 s12, $0xF;
	s16 =	sand.u32 $0xC00, s16  }
0x10: {  	[tilespmem:s15+$0x810 ss:$0x81] =	vst.msk $0xffff, v2;
	s31 =	sand.u32 $0x7, s13;
	s16 =	sor.u32 s17, s16;
	s17 =	sadd.s32 s3, s30  }
0x11: {  	[tilespmem:s15+$0x1020 ss:$0x81] =	vst.msk $0xffff, v0;
	s13 =	sshll.u32 s31, $0x12;
	s12 =	sadd.s32 s12, s17;
	s16 =	sshrl.u32 s16, $0x3  }
0x12: {  	[tilespmem:s15+$0x0 ss:$0x81] =	vst.msk $0xffff, v1;
	s13 =	sor.u32 $0x400, s13;
	s12 =	sadd.s32 s16, s12  }
0x13: {  	[hbm4b:s12+s13] =	stream.strided.scatter [tilespmem:s14], [sflag:$0x2], $0x2000, s8, s13, $0x20;
	[tilespmem:$0x8080] =	vst v63  }
.LBB1_5:
0x14: {  	s14 =	sadd.s32 $0x1, s9  }
0x15: {  	s12 =	sadd.s32 $0x1000, s10;
	s16 =	smov.u32 s10;
	p2 =	sgt.s32 s14, $0xC7  }
0x16: {  	s16 =	smov.u32 @p2 s12  }
0x17: {  	s14 =	simm.s32 @p2 $0x0;
	p2 =	sgt.s32 s16, $0xFFF  }
0x18: {  	s16 =	smov.u32 @p2 s2;
	p2 =	sne.s32 s11, s7  }
.Ltmp1:
0x19: {  	p1 =	slt.u32 s11, $0x2;
	(pc) =	sbr.rel @!p2 .LBB1_6-.Ltmp1, $4  }
0x1a: {  	s15 =	simm.s32 @!p1 $0x2  }
0x1b: {  	s13 =	smov.u32 s10;
	p0 =	por !p0, !p0;
	_ =	swait.ge @!p1 [sflag:s15], $0x2000  }
0x1c: {  	s12 =	smov.u32 s9;
	[sflag:s15] =	ssyncset.done @!p1 $0x0;
	s9 =	smov.u32 s14  }
0x1d: {  	s11 =	sadd.s32 $0x1, s11;
	[sflag:s15] =	ssyncadd.s32 @!p1 $0xFFFFE000;
	s10 =	smov.u32 s16  }
.LBB1_1:
0x1e: {  	p1 =	sge.u32 s11, s5  }
0x1f: {  	s14 =	sand.u32 @!p1 $0x1FFFFFF, s9  }
0x20: {  	s15 =	smulhi.u32 @!p1 $0x147AE15, s14;
	_ =	sdelay $0x1  }
0x21: {  	s15 =	smul.u32 @!p1 $0xC8, s15  }
0x22: {  	s16 =	sxor.u32 @!p1 $0xFFFFFFFF, s11;
	s17 =	smul.u32 @!p1 $0xC80, s10  }
0x23: {  	s31 =	sadd.s32 $0xFFFFFFFF, s11;
	s16 =	sshll.u32 @!p1 s16, $0xD;
	s14 =	ssub.s32 @!p1 s14, s15  }
0x24: {  	s15 =	sand.u32 @!p1 $0x2000, s16;
	s16 =	sadd.s32 @!p1 s6, s17;
	s14 =	sshll.u32 @!p1 s14, $0x4  }
0x25: {  	s17 =	simm.s32 @!p1 $0x6400;
	s14 =	sadd.s32 @!p1 s14, s16;
	s16 =	simm.s32 @!p1 $0x40  }
0x26: {  	[tilespmem:s15], [sflag:$0x1] =	stream.strided.gather @!p1 [hbm4b:s14+s16], $0x2000, s17, s16, $0x38;
	[tilespmem:$0x8080] =	vst v63  }
0x27: {  	p1 =	sge.u32 s31, s5  }
.Ltmp2:
0x28: {  	_ = 	snop;
	(pc) =	sbr.rel @p1 .LBB1_5-.Ltmp2, $1  }
0x29: {  	_ =	sdelay $0x3  }
0x2a: {  	s14 =	simm.s32 $0x1  }
0x2b: {  	_ =	swait.ge [sflag:s4], $0x2000;
	s14 =	simm.s32 @!p0 $0x0  }
0x2c: {  	[sflag:s4] =	ssyncset.done $0x0;
	s15 =	sshll.u32 s14, $0xD  }
0x2d: {  	[sflag:s4] =	ssyncadd.s32 $0xFFFFE000;
	s18 =	sor.u32 $0x20, s15  }
0x2e: {  	s14 =	smul.u32 $0x8100, s14;
	v3 =	vld [tilespmem:s18+$0x10]  }
0x2f: {  	s30 =	sand.u32 $0x1, s11;
	v2 =	vld [tilespmem:s18+$0xFFFFFFF0]  }
0x30: {  	s15 =	smul.u32 $0x8100, s30;
	s14 =	sshrl.u32 s14, $0x2;
	v0 =	vld [tilespmem:s18+$0x0]  }
0x31: {  	v1 =	vld [tilespmem:s18+$0xFFFFFFE0];
	s16 =	sor.u32 $0x4000, s14  }
0x32: {  	s31 =	sshrl.u32 s15, $0x2;
	s15 =	sadd.s32 $0x0, s16  }
0x33: {  	s17 =	simm.s32 $0x4;
	s18 =	sadd.s32 $0x40, s18;
	s14 =	sor.u32 $0x4000, s31;
	[tilespmem:s15+$0x1830 ss:$0x81] =	vst.msk $0xffff, v3  }
.LBB1_3:
0x34: {  	v3 =	vld [tilespmem:s18+$0x10];
	p1 =	sne.s32 s17, $0x1FC;
	[tilespmem:s15+$0x810 ss:$0x81] =	vst.msk $0xffff, v2;
	s19 =	smov.u32 s17;
	s17 =	sadd.s32 $0x4, s17  }
.Ltmp3:
0x35: {  	v2 =	vld [tilespmem:s18+$0xFFFFFFF0];
	[tilespmem:s15+$0x1020 ss:$0x81] =	vst.msk $0xffff, v0;
	(pc) =	sbr.rel @p1 .LBB1_3-.Ltmp3, $4  }
0x36: {  	v0 =	vld [tilespmem:s18+$0x0];
	[tilespmem:s15+$0x0 ss:$0x81] =	vst.msk $0xffff, v1  }
0x37: {  	s15 =	sshra.s32 s19, $0x2;
	v1 =	vld [tilespmem:s18+$0xFFFFFFE0]  }
0x38: {  	s15 =	sadd.s32 s15, s16  }
0x39: {  	s18 =	sadd.s32 $0x40, s18;
	[tilespmem:s15+$0x1830 ss:$0x81] =	vst.msk $0xffff, v3  }
.Ltmp4:
0x3a: {  	_ = 	snop;
	(pc) =	sbr.rel .LBB1_4-.Ltmp4, $1  }
0x3b: {  	_ =	sdelay $0x3  }
.LBB1_6:
0x3c: {  	_ =	sfence.sel $0x180000  }
0x3d: {  	s2 =	simm.s32 $0x1;
	[bflag:$0x0] =	sbarrier.arrive $0xFFFF  }
0x3e: {  	s31 =	simm.s32 $0x2;
	[sflag:s2] =	ssyncpa.u1 $0x1  }
0x3f: {  	[sflag:s31] =	ssyncpa.u1 $0x1  }
0x40: {  	p0 =	sne.s32 s0, $0x0;
	_ =	strace $0x9000004D  }
0x41: {  	s0 =	sadd.s32 @!p0 $0x100000, s1;
	[bflag:$0x2] =	sbarrier.arrive $0xFFFF  }
0x42: {  	[sflag:s0] =	ssyncadd.tile.s32 @!p0 $0x1;
	_ =	shalt  }
.Lfunc_end1:
_tile_overlayer_lowered:
.L_overlay_start_2:
0x43: {  	(tag) =	ssettag $0x2  }
0x44: {  	s0 =	rddreg [dreg:$0x0];
	s2 =	stileid.u32  }
0x45: {  	s1 =	rddreg [dreg:$0x1];
	p0 =	sne.s32 s2, $0x0  }
0x46: {  	s3 =	rddreg [dreg:$0x2];
	[bflag:$0x3] =	sbarrier.arrive $0xFFFF;
	s2 =	simm.s32 @!p0 $0x1C01  }
0x47: {  	[timem:s3], [sflag:s2] =	dma.local @!p0 [hbm:s0], s1  }
0x48: {  	s0 =	simm.s32 @!p0 $0x1  }
0x49: {  	_ =	swait.ge @!p0 [sflag:s0], s1  }
0x4a: {  	s1 =	ssub.s32 @!p0 $0x0, s1;
	[sflag:s0] =	ssyncset.done @!p0 $0x0  }
0x4b: {  	[sflag:s0] =	ssyncadd.s32 @!p0 s1  }
0x4c: {  	[bflag:$0x3] =	sbarrier.arrive $0xFFFF  }
0x4d: {  	_ =	shalt  }

</sc_bundles>
